<compile_context>
chip_gen: v7x
topology: tpu7x:2x2x1
jax: 0.10.2.dev20260603
libtpu: 0.0.44.dev20260713+nightly
codegen_flags: <defaults>
</compile_context>

<pallas_src>
import functools

import jax
import jax.numpy as jnp
from jax import lax
from jax.experimental import pallas as pl
from jax.experimental.pallas import tpu as pltpu
from jax.experimental.pallas import tpu_sc as plsc

B = 1024
D = 256
V = 30000
INP_V = 20000
S = 200
NC, NS, L = 2, 16, 16
NW = NC * NS
ROWS_PER_W = B // NW
CTX_PER_W = ROWS_PER_W * S

TV = 2048
NT = 15

CHUNK = 128
N_FULL_CHUNKS = V // CHUNK
TAIL = V - N_FULL_CHUNKS * CHUNK
CHUNKS_PER_W = (N_FULL_CHUNKS + NW - 1) // NW


@functools.lru_cache(maxsize=None)
def _sc_mesh():
  return plsc.VectorSubcoreMesh(core_axis_name="c", subcore_axis_name="s",
                                num_cores=NC, num_subcores=NS)


def _permute_body(wt_hbm, g2o_hbm, bg_hbm, wp_hbm, bp_hbm,
                  idx_v, rows_v, idx_t, g2o_v, bg_v, bp_v):
  wid = lax.axis_index("s") * NC + lax.axis_index("c")

  def chunk(i, _):
    c = (wid - 1) + i * (NW - 1)

    @pl.when((wid > 0) & (c < N_FULL_CHUNKS))
    def _():
      base = c * CHUNK
      pltpu.sync_copy(g2o_hbm.at[pl.ds(base, CHUNK)], idx_v)
      pltpu.sync_copy(wt_hbm.at[pl.ds(base, CHUNK), :], rows_v)
      pltpu.sync_copy(rows_v, wp_hbm.at[idx_v])
    return 0

  lax.fori_loop(0, CHUNKS_PER_W, chunk, 0)

  @pl.when(wid == NW - 1)
  def _():
    base = N_FULL_CHUNKS * CHUNK
    pltpu.sync_copy(g2o_hbm.at[pl.ds(base, TAIL)], idx_t)
    pltpu.sync_copy(wt_hbm.at[pl.ds(base, TAIL), :],
                    rows_v.at[pl.ds(0, TAIL), :])
    pltpu.sync_copy(rows_v.at[pl.ds(0, TAIL), :], wp_hbm.at[idx_t])

  @pl.when(wid == 0)
  def _():
    pltpu.sync_copy(g2o_hbm, g2o_v)
    pltpu.sync_copy(bg_hbm, bg_v)

    def scatter_bias(i, _):
      idx16 = g2o_v[pl.ds(i * L, L)]
      v16 = bg_v[pl.ds(i * L, L)]
      plsc.store_scatter(bp_v, [idx16], v16)
      return 0

    lax.fori_loop(0, V // L, scatter_bias, 0)
    pltpu.sync_copy(bp_v, bp_hbm)


@functools.lru_cache(maxsize=None)
def _permute_table():
  return pl.kernel(
      _permute_body,
      out_type=(jax.ShapeDtypeStruct((V, D), jnp.float32),
                jax.ShapeDtypeStruct((V,), jnp.float32)),
      mesh=_sc_mesh(),
      compiler_params=pltpu.CompilerParams(needs_layout_passes=False),
      scratch_types=[
          pltpu.VMEM((CHUNK,), jnp.int32),
          pltpu.VMEM((CHUNK, D), jnp.float32),
          pltpu.VMEM((TAIL,), jnp.int32),
          pltpu.VMEM((V,), jnp.int32),
          pltpu.VMEM((V,), jnp.float32),
          pltpu.VMEM((V,), jnp.float32),
      ],
  )


B_HALF = B // 2
RPW_H = B_HALF // NW
CTX_PER_W = RPW_H * S


def _ptr_body(h, ctx_hbm, al_hbm, i2o_hbm, ptr_hbm,
              i2o_v, ctx_v, al_v, row0_v, row1_v, cidx0_v, cidx1_v,
              shift_v, sem0, sem1):
  wid = lax.axis_index("s") * NC + lax.axis_index("c")
  goff = (h * B_HALF + wid * RPW_H) * S

  pltpu.sync_copy(i2o_hbm, i2o_v)
  pltpu.sync_copy(ctx_hbm.at[pl.ds(goff, CTX_PER_W)],
                  ctx_v.at[pl.ds(0, CTX_PER_W)])
  pltpu.sync_copy(al_hbm.at[pl.ds(goff, CTX_PER_W)],
                  al_v.at[pl.ds(0, CTX_PER_W)])

  zeros16 = jnp.zeros((L,), jnp.float32)
  iota16 = lax.iota(jnp.int32, L)
  last_lane = iota16 == L - 1
  not_last = iota16 < L - 1
  shift_v[pl.ds(L, L)] = jnp.zeros((L,), jnp.int32)

  def zero_rows(i, _):
    row0_v[pl.ds(i * L, L)] = zeros16
    row1_v[pl.ds(i * L, L)] = zeros16
    return 0

  lax.fori_loop(0, V // L, zero_rows, 0)

  bufs = ((row0_v, cidx0_v, sem0), (row1_v, cidx1_v, sem1))
  nchunk = (S + L - 1) // L

  def pair(t, _):
    for p in (0, 1):
      row_v, cidx_v, sem = bufs[p]
      j = 2 * t + p
      b = wid * RPW_H + j

      @pl.when(t > 0)
      def _():
        pltpu.make_async_copy(row_v, ptr_hbm.at[b - 2], sem).wait()

        def clear(k, _):
          c16 = cidx_v[pl.ds(k * L, L)]
          plsc.store_scatter(row_v, [c16], zeros16)
          return 0

        lax.fori_loop(0, nchunk, clear, 0)

      def accum(k, _):
        off = j * S + k * L
        i16 = ctx_v[pl.ds(off, L)]
        i16 = jnp.clip(i16, 0, INP_V - 1)
        c16 = plsc.load_gather(i2o_v, [i16])
        cidx_v[pl.ds(k * L, L)] = c16
        v16 = al_v[pl.ds(off, L)]
        v16 = jnp.where(k * L + iota16 < S, v16, 0.0)
        ks, vs = plsc.sort_key_val(c16, v16)
        cs = plsc.cumsum(vs)
        shift_v[pl.ds(0, L)] = ks
        nxt = shift_v[pl.ds(1, L)]
        segend = (ks != nxt) | last_lane
        plsc.addupdate_scatter(row_v, [ks], cs, mask=segend)
        plsc.addupdate_scatter(row_v, [nxt], -cs, mask=segend & not_last)
        return 0

      lax.fori_loop(0, nchunk, accum, 0)
      pltpu.async_copy(row_v, ptr_hbm.at[b], sem)
    return 0

  lax.fori_loop(0, RPW_H // 2, pair, 0)
  last = wid * RPW_H + RPW_H - 2
  pltpu.make_async_copy(row0_v, ptr_hbm.at[last], sem0).wait()
  pltpu.make_async_copy(row1_v, ptr_hbm.at[last + 1], sem1).wait()


@functools.lru_cache(maxsize=None)
def _ptr_rows(h):
  return pl.kernel(
      functools.partial(_ptr_body, h),
      out_type=jax.ShapeDtypeStruct((B_HALF, V), jnp.float32),
      mesh=_sc_mesh(),
      compiler_params=pltpu.CompilerParams(needs_layout_passes=False),
      scratch_types=[
          pltpu.VMEM((INP_V,), jnp.int32),
          pltpu.VMEM((CTX_PER_W + 8,), jnp.int32),
          pltpu.VMEM((CTX_PER_W + 8,), jnp.float32),
          pltpu.VMEM((V,), jnp.float32),
          pltpu.VMEM((V,), jnp.float32),
          pltpu.VMEM((L * ((S + L - 1) // L),), jnp.int32),
          pltpu.VMEM((L * ((S + L - 1) // L),), jnp.int32),
          pltpu.VMEM((2 * L,), jnp.int32),
          pltpu.SemaphoreType.DMA,
          pltpu.SemaphoreType.DMA,
      ],
  )


def _stats_body(x_r, wt_r, bg_r, wpr_r, bpr_r, m_o, s_o, it_o, m_s, s_s):
  i = pl.program_id(0)

  @pl.when(i == 0)
  def _():
    m_s[:] = jnp.full((1, B), -1e30, jnp.float32)
    s_s[:] = jnp.zeros((1, B), jnp.float32)
    xw = lax.dot_general(wpr_r[:].astype(jnp.bfloat16), x_r[:],
                         (((0,), (1,)), ((), ())),
                         preferred_element_type=jnp.float32)
    it_o[:] = jax.nn.sigmoid(xw + bpr_r[0, 0])

  w = wt_r[:].astype(jnp.bfloat16)
  l = lax.dot_general(w, x_r[:], (((1,), (1,)), ((), ())),
                      preferred_element_type=jnp.float32)
  l = l + bg_r[:][0][:, None]
  row = lax.broadcasted_iota(jnp.int32, (TV, B), 0) + i * TV
  l = jnp.where(row < V, l, -1e30)
  tm = jnp.max(l, axis=0, keepdims=True)
  mnew = jnp.maximum(m_s[:], tm)
  s_s[:] = s_s[:] * jnp.exp(m_s[:] - mnew) + jnp.sum(
      jnp.exp(l - mnew), axis=0, keepdims=True)
  m_s[:] = mnew

  @pl.when(i == NT - 1)
  def _():
    m_o[:] = m_s[:]
    s_o[:] = s_s[:]


def _stats(x_bf, wt_f, bg2d, w_prob, b_prob2d):
  return pl.pallas_call(
      _stats_body,
      grid=(NT,),
      in_specs=[
          pl.BlockSpec((B, D), lambda i: (0, 0)),
          pl.BlockSpec((TV, D), lambda i: (i, 0)),
          pl.BlockSpec((1, TV), lambda i: (0, i)),
          pl.BlockSpec((D, 1), lambda i: (0, 0)),
          pl.BlockSpec((1, 1), lambda i: (0, 0)),
      ],
      out_specs=[
          pl.BlockSpec((1, B), lambda i: (0, 0)),
          pl.BlockSpec((1, B), lambda i: (0, 0)),
          pl.BlockSpec((1, B), lambda i: (0, 0)),
      ],
      out_shape=[
          jax.ShapeDtypeStruct((1, B), jnp.float32),
          jax.ShapeDtypeStruct((1, B), jnp.float32),
          jax.ShapeDtypeStruct((1, B), jnp.float32),
      ],
      scratch_shapes=[
          pltpu.VMEM((1, B), jnp.float32),
          pltpu.VMEM((1, B), jnp.float32),
      ],
  )(x_bf, wt_f, bg2d, w_prob, b_prob2d)


def _emit_body(x_r, wp_r, bp_r, m_r, s_r, it_r, ptr_r, out_r):
  w = wp_r[:].astype(jnp.bfloat16)
  l = lax.dot_general(w, x_r[:], (((1,), (1,)), ((), ())),
                      preferred_element_type=jnp.float32)
  l = l + bp_r[:][0][:, None]
  g = jnp.exp(l - m_r[:])
  it = it_r[:]
  p_t = lax.transpose(ptr_r[:], (1, 0))
  val = (it / s_r[:]) * g + (1.0 - it) * p_t
  out_r[:] = jnp.log(val)


def _emit_alias_body(_, x_r, wp_r, bp_r, m_r, s_r, it_r, ptr_r, out_r):
  _emit_body(x_r, wp_r, bp_r, m_r, s_r, it_r, ptr_r, out_r)


def _emit_half(h, x_bf, wp_f, bp2d, m, s, it, ptr_h, prev=None):
  specs = [
      pl.BlockSpec((B_HALF, D), lambda i: (h, 0)),
      pl.BlockSpec((TV, D), lambda i: (i, 0)),
      pl.BlockSpec((1, TV), lambda i: (0, i)),
      pl.BlockSpec((1, B_HALF), lambda i: (0, h)),
      pl.BlockSpec((1, B_HALF), lambda i: (0, h)),
      pl.BlockSpec((1, B_HALF), lambda i: (0, h)),
      pl.BlockSpec((B_HALF, TV), lambda i: (0, i)),
  ]
  args = (x_bf, wp_f, bp2d, m, s, it, ptr_h)
  body = _emit_body
  aliases = {}
  if prev is not None:
    specs = [pl.BlockSpec(memory_space=pl.ANY)] + specs
    args = (prev,) + args
    body = _emit_alias_body
    aliases = {0: 0}
  return pl.pallas_call(
      body,
      grid=(NT,),
      in_specs=specs,
      out_specs=pl.BlockSpec((TV, B_HALF), lambda i: (i, h)),
      out_shape=jax.ShapeDtypeStruct((V, B), jnp.float32),
      input_output_aliases=aliases,
  )(*args)


def kernel(x, alphas, ctx_inp, W_prob, b_prob, W_gen, b_gen, gen_to_out,
           inp_to_out):
  x_bf = x.astype(jnp.bfloat16)
  wt_f = W_gen.T
  g2o = gen_to_out.astype(jnp.int32)
  i2o = inp_to_out.astype(jnp.int32)
  ctx_flat = ctx_inp.astype(jnp.int32).reshape(-1)
  al_flat = alphas.reshape(-1)

  wp_f, bp = _permute_table()(wt_f, g2o, b_gen)
  ptr0 = _ptr_rows(0)(ctx_flat, al_flat, i2o)
  ptr1 = _ptr_rows(1)(ctx_flat, al_flat, i2o)
  m, s, it = _stats(x_bf, wt_f, b_gen.reshape(1, V),
                    W_prob, b_prob.reshape(1, 1))
  bp2d = bp.reshape(1, V)
  o1 = _emit_half(0, x_bf, wp_f, bp2d, m, s, it, ptr0)
  out_t = _emit_half(1, x_bf, wp_f, bp2d, m, s, it, ptr1, prev=o1)
  return out_t.T

# --- scband reference (transcript-rebuilt; emitter-appended) ---
"""Pipeline reference for scband-pointer-generator-out-74861279969873 (READ-ONLY COPY).

The authoritative reference and input builder live on the scoring server;
editing this copy changes nothing except your own understanding.
"""

import jax, jax.numpy as jnp
import numpy as np

B = 1024
D = 256
GEN_V = 30000
OUT_V = 30000
INP_V = 20000
S = 200


def setup_inputs(seed: int = 0) -> dict:
    key = jax.random.key(seed)
    k = jax.random.split(key, 8)
    x = jax.random.normal(k[0], (B, D), dtype=jnp.float32)
    alphas = jax.random.uniform(k[1], (B, S), dtype=jnp.float32)
    alphas = alphas / jnp.sum(alphas, axis=1, keepdims=True)  # normalized attention over ctx
    ctx_inp = jax.random.randint(k[2], (B, S), 0, INP_V)
    # gen_prob_comp: Linear(D -> 1) + sigmoid
    W_prob = jax.random.normal(k[3], (D, 1), dtype=jnp.float32) * 0.02
    b_prob = jnp.zeros((1,), dtype=jnp.float32)
    # gen_out: Linear(D -> GEN_V) + softmax
    W_gen = jax.random.normal(k[4], (D, GEN_V), dtype=jnp.float32) * 0.02
    b_gen = jnp.zeros((GEN_V,), dtype=jnp.float32)
    # gen_out.D -> outdic mapping: generator vocab covers the whole output vocab (permutation)
    gen_to_out = jax.random.permutation(k[5], OUT_V)
    # inpdic -> outdic mapping for pointer
    inp_to_out = jax.random.randint(k[6], (INP_V,), 0, OUT_V)
    return {"x": x, "alphas": alphas, "ctx_inp": ctx_inp,
            "W_prob": W_prob, "b_prob": b_prob,
            "W_gen": W_gen, "b_gen": b_gen,
            "gen_to_out": gen_to_out, "inp_to_out": inp_to_out}


def reference(x, alphas, ctx_inp, W_prob, b_prob, W_gen, b_gen, gen_to_out, inp_to_out):
    # interp = gen_prob_comp(x): probability of generating vs pointing
    interp = jax.nn.sigmoid(x @ W_prob + b_prob)  # (B, 1)
    # gen_probs = gen_out(x): normalized generation probabilities
    gen_probs = jax.nn.softmax(x @ W_gen + b_gen, axis=-1)  # (B, GEN_V)
    rows = jnp.arange(x.shape[0])[:, None]
    # out_probs_gen.scatter_add_(1, gen_to_out.repeat(B,1), gen_probs)
    out_probs_gen = jnp.zeros((x.shape[0], OUT_V), dtype=x.dtype)
    out_probs_gen = out_probs_gen.at[rows, gen_to_out[None, :]].add(gen_probs)
    # ctx_out = inp_to_out[ctx_inp]; scatter_add_(1, ctx_out, alphas)
    ctx_out = inp_to_out[ctx_inp]  # (B, S)
    out_probs_ptr = jnp.zeros((x.shape[0], OUT_V), dtype=x.dtype)
    out_probs_ptr = out_probs_ptr.at[rows, ctx_out].add(alphas)
    out_probs = interp * out_probs_gen + (1.0 - interp) * out_probs_ptr
    # out_logits=True -> log probabilities (finite since generator covers full out vocab)
    return jnp.log(out_probs)

if __name__ == "__main__":
    import jax
    _d = setup_inputs()
    print(jax.jit(kernel)(*tuple(_d.values())))

</pallas_src>

<mosaic_0001>
#map = affine_map<(d0, d1) -> (0, 0)>
#map1 = affine_map<(d0, d1) -> (0)>
module attributes {stable_mosaic.version = 14 : i64} {
  func.func @_permute_body(%arg0: i32, %arg1: i32, %arg2: memref<30000x256xf32, #tpu.memory_space<hbm>>, %arg3: memref<30000xi32, #tpu.memory_space<hbm>>, %arg4: memref<30000xf32, #tpu.memory_space<hbm>>, %arg5: memref<30000x256xf32, #tpu.memory_space<hbm>>, %arg6: memref<30000xf32, #tpu.memory_space<hbm>>, %arg7: memref<128xi32, #tpu.memory_space<vmem>>, %arg8: memref<128x256xf32, #tpu.memory_space<vmem>>, %arg9: memref<48xi32, #tpu.memory_space<vmem>>, %arg10: memref<30000xi32, #tpu.memory_space<vmem>>, %arg11: memref<30000xf32, #tpu.memory_space<vmem>>, %arg12: memref<30000xf32, #tpu.memory_space<vmem>>) attributes {dimension_semantics = [#tpu.dimension_semantics<core_parallel>, #tpu.dimension_semantics<subcore_parallel>], iteration_bounds = array<i64: 2, 16>, scalar_prefetch = 0 : i64, scratch_operands = 6 : i64, tpu.core_type = #tpu.core_type<sc_vector_subcore>, window_params = [{transform_indices = #map}, {transform_indices = #map1}, {transform_indices = #map1}, {transform_indices = #map}, {transform_indices = #map1}]} {
    %mul3A = arith.constant 2 : i32
    %mul3A_0 = arith.muli %arg1, %mul3A : i32
    %add3A = arith.addi %mul3A_0, %arg0 : i32
    %scan3A = arith.constant 0 : i32
    %scan3A_1 = arith.constant 0 : i32
    %scan3A_2 = arith.constant 8 : i32
    %scan3A_3 = arith.addi %scan3A_1, %scan3A_2 : i32
    %scan3A_4 = arith.constant 1 : i32
    %scan3A_5 = scf.for %scan3A_14 = %scan3A_1 to %scan3A_3 step %scan3A_4 iter_args(%scan3A_15 = %scan3A) -> (i32)  : i32 {
      %sub3A = arith.constant 1 : i32
      %sub3A_16 = arith.subi %add3A, %sub3A : i32
      %mul3A_17 = arith.constant 31 : i32
      %mul3A_18 = arith.muli %scan3A_14, %mul3A_17 : i32
      %add3A_19 = arith.addi %sub3A_16, %mul3A_18 : i32
      %gt3A = arith.constant 0 : i32
      %gt3A_20 = arith.cmpi sgt, %add3A, %gt3A : i32
      %lt3A = arith.constant 234 : i32
      %lt3A_21 = arith.cmpi slt, %add3A_19, %lt3A : i32
      %and3A = arith.andi %gt3A_20, %lt3A_21 : i1
      %convert_element_type3A_22 = arith.extui %and3A : i1 to i32
      %cond3A_23 = arith.constant 0 : i32
      %cond3A_24 = arith.cmpi ne, %convert_element_type3A_22, %cond3A_23 : i32
      scf.if %cond3A_24 {
        %mul3A_26 = arith.constant 128 : i32
        %mul3A_27 = arith.muli %add3A_19, %mul3A_26 : i32
        "tpu.region"() ({
          %run_scoped3A = tpu.sem_alloc : memref<!tpu.dma_semaphore, #tpu.memory_space<semaphore_mem>>
          %dma_start3A = tpu.memref_slice %arg3[%mul3A_27] : memref<30000xi32, #tpu.memory_space<hbm>> -> memref<128xi32, #tpu.memory_space<hbm>>
          %dma_start3A_28 = tpu.memref_slice %arg3[%mul3A_27] : memref<30000xi32, #tpu.memory_space<hbm>> -> memref<128xi32, #tpu.memory_space<hbm>>
          tpu.enqueue_dma source(%dma_start3A_28 : memref<128xi32, #tpu.memory_space<hbm>>) target(%arg7 : memref<128xi32, #tpu.memory_space<vmem>>) target_semaphore(%run_scoped3A : memref<!tpu.dma_semaphore, #tpu.memory_space<semaphore_mem>>)
          %dma_wait3A = tpu.memref_slice %arg3[%mul3A_27] : memref<30000xi32, #tpu.memory_space<hbm>> -> memref<128xi32, #tpu.memory_space<hbm>>
          %dma_wait3A_29 = tpu.memref_slice %arg3[%mul3A_27] : memref<30000xi32, #tpu.memory_space<hbm>> -> memref<128xi32, #tpu.memory_space<hbm>>
          tpu.wait_dma2 semaphore(%run_scoped3A : memref<!tpu.dma_semaphore, #tpu.memory_space<semaphore_mem>>) src(%dma_wait3A_29 : memref<128xi32, #tpu.memory_space<hbm>>) dst(%arg7 : memref<128xi32, #tpu.memory_space<vmem>>)
          tpu.yield
        }) : () -> ()
        "tpu.region"() ({
          %run_scoped3A = tpu.sem_alloc : memref<!tpu.dma_semaphore, #tpu.memory_space<semaphore_mem>>
          %dma_start3A = arith.constant 0 : i32
          %dma_start3A_28 = tpu.memref_slice %arg2[%mul3A_27, %dma_start3A] : memref<30000x256xf32, #tpu.memory_space<hbm>> -> memref<128x256xf32, #tpu.memory_space<hbm>>
          %dma_start3A_29 = arith.constant 0 : i32
          %dma_start3A_30 = tpu.memref_slice %arg2[%mul3A_27, %dma_start3A_29] : memref<30000x256xf32, #tpu.memory_space<hbm>> -> memref<128x256xf32, #tpu.memory_space<hbm>>
          tpu.enqueue_dma source(%dma_start3A_30 : memref<128x256xf32, #tpu.memory_space<hbm>>) target(%arg8 : memref<128x256xf32, #tpu.memory_space<vmem>>) target_semaphore(%run_scoped3A : memref<!tpu.dma_semaphore, #tpu.memory_space<semaphore_mem>>)
          %dma_wait3A = arith.constant 0 : i32
          %dma_wait3A_31 = tpu.memref_slice %arg2[%mul3A_27, %dma_wait3A] : memref<30000x256xf32, #tpu.memory_space<hbm>> -> memref<128x256xf32, #tpu.memory_space<hbm>>
          %dma_wait3A_32 = arith.constant 0 : i32
          %dma_wait3A_33 = tpu.memref_slice %arg2[%mul3A_27, %dma_wait3A_32] : memref<30000x256xf32, #tpu.memory_space<hbm>> -> memref<128x256xf32, #tpu.memory_space<hbm>>
          tpu.wait_dma2 semaphore(%run_scoped3A : memref<!tpu.dma_semaphore, #tpu.memory_space<semaphore_mem>>) src(%dma_wait3A_33 : memref<128x256xf32, #tpu.memory_space<hbm>>) dst(%arg8 : memref<128x256xf32, #tpu.memory_space<vmem>>)
          tpu.yield
        }) : () -> ()
        "tpu.region"() ({
          %run_scoped3A = tpu.sem_alloc : memref<!tpu.dma_semaphore, #tpu.memory_space<semaphore_mem>>
          %dma_start3A = arith.constant 0 : i32
          %dma_start3A_28 = arith.constant 0 : i32
          %dma_start3A_29 = tpu.memref_slice %arg5[%dma_start3A, %dma_start3A_28] : memref<30000x256xf32, #tpu.memory_space<hbm>> -> memref<30000x256xf32, #tpu.memory_space<hbm>>
          tpu.enqueue_indirect_dma source(%arg8 : memref<128x256xf32, #tpu.memory_space<vmem>>) target(%dma_start3A_29 : memref<30000x256xf32, #tpu.memory_space<hbm>>) offsets(%arg7 : memref<128xi32, #tpu.memory_space<vmem>>) semaphore(%run_scoped3A : memref<!tpu.dma_semaphore, #tpu.memory_space<semaphore_mem>>)
          %dma_wait3A = arith.constant 0 : i32
          %dma_wait3A_30 = arith.constant 0 : i32
          %dma_wait3A_31 = tpu.memref_slice %arg5[%dma_wait3A, %dma_wait3A_30] : memref<30000x256xf32, #tpu.memory_space<hbm>> -> memref<30000x256xf32, #tpu.memory_space<hbm>>
          tpu.wait_indirect_dma semaphore(%run_scoped3A : memref<!tpu.dma_semaphore, #tpu.memory_space<semaphore_mem>>) src(%arg8 : memref<128x256xf32, #tpu.memory_space<vmem>>) dst(%dma_wait3A_31 : memref<30000x256xf32, #tpu.memory_space<hbm>>)
          tpu.yield
        }) : () -> ()
      } else {
      }
      %scan3A_25 = arith.constant 0 : i32
      scf.yield %scan3A_25 : i32
    }
    %scan3A_6 = arith.constant 8 : i32
    %eq3A = arith.constant 31 : i32
    %eq3A_7 = arith.cmpi eq, %add3A, %eq3A : i32
    %convert_element_type3A = arith.extui %eq3A_7 : i1 to i32
    %cond3A = arith.constant 0 : i32
    %cond3A_8 = arith.cmpi ne, %convert_element_type3A, %cond3A : i32
    scf.if %cond3A_8 {
      "tpu.region"() ({
        %run_scoped3A = tpu.sem_alloc : memref<!tpu.dma_semaphore, #tpu.memory_space<semaphore_mem>>
        %dma_start3A = arith.constant 29952 : i32
        %dma_start3A_14 = tpu.memref_slice %arg3[%dma_start3A] : memref<30000xi32, #tpu.memory_space<hbm>> -> memref<48xi32, #tpu.memory_space<hbm>>
        %dma_start3A_15 = arith.constant 29952 : i32
        %dma_start3A_16 = tpu.memref_slice %arg3[%dma_start3A_15] : memref<30000xi32, #tpu.memory_space<hbm>> -> memref<48xi32, #tpu.memory_space<hbm>>
        tpu.enqueue_dma source(%dma_start3A_16 : memref<48xi32, #tpu.memory_space<hbm>>) target(%arg9 : memref<48xi32, #tpu.memory_space<vmem>>) target_semaphore(%run_scoped3A : memref<!tpu.dma_semaphore, #tpu.memory_space<semaphore_mem>>)
        %dma_wait3A = arith.constant 29952 : i32
        %dma_wait3A_17 = tpu.memref_slice %arg3[%dma_wait3A] : memref<30000xi32, #tpu.memory_space<hbm>> -> memref<48xi32, #tpu.memory_space<hbm>>
        %dma_wait3A_18 = arith.constant 29952 : i32
        %dma_wait3A_19 = tpu.memref_slice %arg3[%dma_wait3A_18] : memref<30000xi32, #tpu.memory_space<hbm>> -> memref<48xi32, #tpu.memory_space<hbm>>
        tpu.wait_dma2 semaphore(%run_scoped3A : memref<!tpu.dma_semaphore, #tpu.memory_space<semaphore_mem>>) src(%dma_wait3A_19 : memref<48xi32, #tpu.memory_space<hbm>>) dst(%arg9 : memref<48xi32, #tpu.memory_space<vmem>>)
        tpu.yield
      }) : () -> ()
      "tpu.region"() ({
        %run_scoped3A = tpu.sem_alloc : memref<!tpu.dma_semaphore, #tpu.memory_space<semaphore_mem>>
        %dma_start3A = arith.constant 0 : i32
        %dma_start3A_14 = arith.constant 0 : i32
        %dma_start3A_15 = tpu.memref_slice %arg8[%dma_start3A, %dma_start3A_14] : memref<128x256xf32, #tpu.memory_space<vmem>> -> memref<48x256xf32, #tpu.memory_space<vmem>>
        %dma_start3A_16 = arith.constant 29952 : i32
        %dma_start3A_17 = arith.constant 0 : i32
        %dma_start3A_18 = tpu.memref_slice %arg2[%dma_start3A_16, %dma_start3A_17] : memref<30000x256xf32, #tpu.memory_space<hbm>> -> memref<48x256xf32, #tpu.memory_space<hbm>>
        %dma_start3A_19 = arith.constant 0 : i32
        %dma_start3A_20 = arith.constant 0 : i32
        %dma_start3A_21 = tpu.memref_slice %arg8[%dma_start3A_19, %dma_start3A_20] : memref<128x256xf32, #tpu.memory_space<vmem>> -> memref<48x256xf32, #tpu.memory_space<vmem>>
        %dma_start3A_22 = arith.constant 29952 : i32
        %dma_start3A_23 = arith.constant 0 : i32
        %dma_start3A_24 = tpu.memref_slice %arg2[%dma_start3A_22, %dma_start3A_23] : memref<30000x256xf32, #tpu.memory_space<hbm>> -> memref<48x256xf32, #tpu.memory_space<hbm>>
        tpu.enqueue_dma source(%dma_start3A_24 : memref<48x256xf32, #tpu.memory_space<hbm>>) target(%dma_start3A_21 : memref<48x256xf32, #tpu.memory_space<vmem>>) target_semaphore(%run_scoped3A : memref<!tpu.dma_semaphore, #tpu.memory_space<semaphore_mem>>)
        %dma_wait3A = arith.constant 0 : i32
        %dma_wait3A_25 = arith.constant 0 : i32
        %dma_wait3A_26 = tpu.memref_slice %arg8[%dma_wait3A, %dma_wait3A_25] : memref<128x256xf32, #tpu.memory_space<vmem>> -> memref<48x256xf32, #tpu.memory_space<vmem>>
        %dma_wait3A_27 = arith.constant 29952 : i32
        %dma_wait3A_28 = arith.constant 0 : i32
        %dma_wait3A_29 = tpu.memref_slice %arg2[%dma_wait3A_27, %dma_wait3A_28] : memref<30000x256xf32, #tpu.memory_space<hbm>> -> memref<48x256xf32, #tpu.memory_space<hbm>>
        %dma_wait3A_30 = arith.constant 0 : i32
        %dma_wait3A_31 = arith.constant 0 : i32
        %dma_wait3A_32 = tpu.memref_slice %arg8[%dma_wait3A_30, %dma_wait3A_31] : memref<128x256xf32, #tpu.memory_space<vmem>> -> memref<48x256xf32, #tpu.memory_space<vmem>>
        %dma_wait3A_33 = arith.constant 29952 : i32
        %dma_wait3A_34 = arith.constant 0 : i32
        %dma_wait3A_35 = tpu.memref_slice %arg2[%dma_wait3A_33, %dma_wait3A_34] : memref<30000x256xf32, #tpu.memory_space<hbm>> -> memref<48x256xf32, #tpu.memory_space<hbm>>
        tpu.wait_dma2 semaphore(%run_scoped3A : memref<!tpu.dma_semaphore, #tpu.memory_space<semaphore_mem>>) src(%dma_wait3A_35 : memref<48x256xf32, #tpu.memory_space<hbm>>) dst(%dma_wait3A_32 : memref<48x256xf32, #tpu.memory_space<vmem>>)
        tpu.yield
      }) : () -> ()
      "tpu.region"() ({
        %run_scoped3A = tpu.sem_alloc : memref<!tpu.dma_semaphore, #tpu.memory_space<semaphore_mem>>
        %dma_start3A = arith.constant 0 : i32
        %dma_start3A_14 = arith.constant 0 : i32
        %dma_start3A_15 = tpu.memref_slice %arg8[%dma_start3A, %dma_start3A_14] : memref<128x256xf32, #tpu.memory_space<vmem>> -> memref<48x256xf32, #tpu.memory_space<vmem>>
        %dma_start3A_16 = arith.constant 0 : i32
        %dma_start3A_17 = arith.constant 0 : i32
        %dma_start3A_18 = tpu.memref_slice %arg5[%dma_start3A_16, %dma_start3A_17] : memref<30000x256xf32, #tpu.memory_space<hbm>> -> memref<30000x256xf32, #tpu.memory_space<hbm>>
        tpu.enqueue_indirect_dma source(%dma_start3A_15 : memref<48x256xf32, #tpu.memory_space<vmem>>) target(%dma_start3A_18 : memref<30000x256xf32, #tpu.memory_space<hbm>>) offsets(%arg9 : memref<48xi32, #tpu.memory_space<vmem>>) semaphore(%run_scoped3A : memref<!tpu.dma_semaphore, #tpu.memory_space<semaphore_mem>>)
        %dma_wait3A = arith.constant 0 : i32
        %dma_wait3A_19 = arith.constant 0 : i32
        %dma_wait3A_20 = tpu.memref_slice %arg8[%dma_wait3A, %dma_wait3A_19] : memref<128x256xf32, #tpu.memory_space<vmem>> -> memref<48x256xf32, #tpu.memory_space<vmem>>
        %dma_wait3A_21 = arith.constant 0 : i32
        %dma_wait3A_22 = arith.constant 0 : i32
        %dma_wait3A_23 = tpu.memref_slice %arg5[%dma_wait3A_21, %dma_wait3A_22] : memref<30000x256xf32, #tpu.memory_space<hbm>> -> memref<30000x256xf32, #tpu.memory_space<hbm>>
        tpu.wait_indirect_dma semaphore(%run_scoped3A : memref<!tpu.dma_semaphore, #tpu.memory_space<semaphore_mem>>) src(%dma_wait3A_20 : memref<48x256xf32, #tpu.memory_space<vmem>>) dst(%dma_wait3A_23 : memref<30000x256xf32, #tpu.memory_space<hbm>>)
        tpu.yield
      }) : () -> ()
    } else {
    }
    %eq3A_9 = arith.constant 0 : i32
    %eq3A_10 = arith.cmpi eq, %add3A, %eq3A_9 : i32
    %convert_element_type3A_11 = arith.extui %eq3A_10 : i1 to i32
    %cond3A_12 = arith.constant 0 : i32
    %cond3A_13 = arith.cmpi ne, %convert_element_type3A_11, %cond3A_12 : i32
    scf.if %cond3A_13 {
      "tpu.region"() ({
        %run_scoped3A = tpu.sem_alloc : memref<!tpu.dma_semaphore, #tpu.memory_space<semaphore_mem>>
        tpu.enqueue_dma source(%arg3 : memref<30000xi32, #tpu.memory_space<hbm>>) target(%arg10 : memref<30000xi32, #tpu.memory_space<vmem>>) target_semaphore(%run_scoped3A : memref<!tpu.dma_semaphore, #tpu.memory_space<semaphore_mem>>)
        tpu.wait_dma2 semaphore(%run_scoped3A : memref<!tpu.dma_semaphore, #tpu.memory_space<semaphore_mem>>) src(%arg3 : memref<30000xi32, #tpu.memory_space<hbm>>) dst(%arg10 : memref<30000xi32, #tpu.memory_space<vmem>>)
        tpu.yield
      }) : () -> ()
      "tpu.region"() ({
        %run_scoped3A = tpu.sem_alloc : memref<!tpu.dma_semaphore, #tpu.memory_space<semaphore_mem>>
        tpu.enqueue_dma source(%arg4 : memref<30000xf32, #tpu.memory_space<hbm>>) target(%arg11 : memref<30000xf32, #tpu.memory_space<vmem>>) target_semaphore(%run_scoped3A : memref<!tpu.dma_semaphore, #tpu.memory_space<semaphore_mem>>)
        tpu.wait_dma2 semaphore(%run_scoped3A : memref<!tpu.dma_semaphore, #tpu.memory_space<semaphore_mem>>) src(%arg4 : memref<30000xf32, #tpu.memory_space<hbm>>) dst(%arg11 : memref<30000xf32, #tpu.memory_space<vmem>>)
        tpu.yield
      }) : () -> ()
      %scan3A_14 = arith.constant 0 : i32
      %scan3A_15 = arith.constant 0 : i32
      %scan3A_16 = arith.constant 1875 : i32
      %scan3A_17 = arith.addi %scan3A_15, %scan3A_16 : i32
      %scan3A_18 = arith.constant 1 : i32
      %scan3A_19 = scf.for %scan3A_21 = %scan3A_15 to %scan3A_17 step %scan3A_18 iter_args(%scan3A_22 = %scan3A_14) -> (i32)  : i32 {
        %mul3A_23 = arith.constant 16 : i32
        %mul3A_24 = arith.muli %scan3A_21, %mul3A_23 : i32
        %get3A = arith.index_cast %mul3A_24 : i32 to index
        %get3A_25 = tpu.vector_load %arg10[%get3A] {strides = array<i32>} : memref<30000xi32, #tpu.memory_space<vmem>>, vector<16xi32>,
        %mul3A_26 = arith.constant 16 : i32
        %mul3A_27 = arith.muli %scan3A_21, %mul3A_26 : i32
        %get3A_28 = arith.index_cast %mul3A_27 : i32 to index
        %get3A_29 = tpu.vector_load %arg11[%get3A_28] {strides = array<i32>} : memref<30000xf32, #tpu.memory_space<vmem>>, vector<16xf32>,
        tpu.vector_store_idx %arg12[%get3A_25], %get3A_29 : memref<30000xf32, #tpu.memory_space<vmem>>[vector<16xi32>], vector<16xf32>,
        %scan3A_30 = arith.constant 0 : i32
        scf.yield %scan3A_30 : i32
      }
      %scan3A_20 = arith.constant 1875 : i32
      "tpu.region"() ({
        %run_scoped3A = tpu.sem_alloc : memref<!tpu.dma_semaphore, #tpu.memory_space<semaphore_mem>>
        tpu.enqueue_dma source(%arg12 : memref<30000xf32, #tpu.memory_space<vmem>>) target(%arg6 : memref<30000xf32, #tpu.memory_space<hbm>>) target_semaphore(%run_scoped3A : memref<!tpu.dma_semaphore, #tpu.memory_space<semaphore_mem>>)
        tpu.wait_dma2 semaphore(%run_scoped3A : memref<!tpu.dma_semaphore, #tpu.memory_space<semaphore_mem>>) src(%arg12 : memref<30000xf32, #tpu.memory_space<vmem>>) dst(%arg6 : memref<30000xf32, #tpu.memory_space<hbm>>)
        tpu.yield
      }) : () -> ()
    } else {
    }
    return
  }
}

#map = affine_map<(d0, d1) -> (0)>
#map1 = affine_map<(d0, d1) -> (0, 0)>
module attributes {stable_mosaic.version = 14 : i64} {
  func.func @_ptr_body(%arg0: i32, %arg1: i32, %arg2: memref<204800xi32, #tpu.memory_space<hbm>>, %arg3: memref<204800xf32, #tpu.memory_space<hbm>>, %arg4: memref<20000xi32, #tpu.memory_space<hbm>>, %arg5: memref<512x30000xf32, #tpu.memory_space<hbm>>, %arg6: memref<20000xi32, #tpu.memory_space<vmem>>, %arg7: memref<3208xi32, #tpu.memory_space<vmem>>, %arg8: memref<3208xf32, #tpu.memory_space<vmem>>, %arg9: memref<30000xf32, #tpu.memory_space<vmem>>, %arg10: memref<30000xf32, #tpu.memory_space<vmem>>, %arg11: memref<208xi32, #tpu.memory_space<vmem>>, %arg12: memref<208xi32, #tpu.memory_space<vmem>>, %arg13: memref<32xi32, #tpu.memory_space<vmem>>, %arg14: memref<!tpu.dma_semaphore, #tpu.memory_space<semaphore_mem>>, %arg15: memref<!tpu.dma_semaphore, #tpu.memory_space<semaphore_mem>>) attributes {dimension_semantics = [#tpu.dimension_semantics<core_parallel>, #tpu.dimension_semantics<subcore_parallel>], iteration_bounds = array<i64: 2, 16>, scalar_prefetch = 0 : i64, scratch_operands = 10 : i64, tpu.core_type = #tpu.core_type<sc_vector_subcore>, window_params = [{transform_indices = #map}, {transform_indices = #map}, {transform_indices = #map}, {transform_indices = #map1}]} {
    %mul3A = arith.constant 2 : i32
    %mul3A_0 = arith.muli %arg1, %mul3A : i32
    %add3A = arith.addi %mul3A_0, %arg0 : i32
    %mul3A_1 = arith.constant 16 : i32
    %mul3A_2 = arith.muli %add3A, %mul3A_1 : i32
    %add3A_3 = arith.constant 512 : i32
    %add3A_4 = arith.addi %add3A_3, %mul3A_2 : i32
    %mul3A_5 = arith.constant 200 : i32
    %mul3A_6 = arith.muli %add3A_4, %mul3A_5 : i32
    "tpu.region"() ({
      %run_scoped3A = tpu.sem_alloc : memref<!tpu.dma_semaphore, #tpu.memory_space<semaphore_mem>>
      tpu.enqueue_dma source(%arg4 : memref<20000xi32, #tpu.memory_space<hbm>>) target(%arg6 : memref<20000xi32, #tpu.memory_space<vmem>>) target_semaphore(%run_scoped3A : memref<!tpu.dma_semaphore, #tpu.memory_space<semaphore_mem>>)
      tpu.wait_dma2 semaphore(%run_scoped3A : memref<!tpu.dma_semaphore, #tpu.memory_space<semaphore_mem>>) src(%arg4 : memref<20000xi32, #tpu.memory_space<hbm>>) dst(%arg6 : memref<20000xi32, #tpu.memory_space<vmem>>)
      tpu.yield
    }) : () -> ()
    "tpu.region"() ({
      %run_scoped3A = tpu.sem_alloc : memref<!tpu.dma_semaphore, #tpu.memory_space<semaphore_mem>>
      %dma_start3A = arith.constant 0 : i32
      %dma_start3A_46 = tpu.memref_slice %arg7[%dma_start3A] : memref<3208xi32, #tpu.memory_space<vmem>> -> memref<3200xi32, #tpu.memory_space<vmem>>
      %dma_start3A_47 = tpu.memref_slice %arg2[%mul3A_6] : memref<204800xi32, #tpu.memory_space<hbm>> -> memref<3200xi32, #tpu.memory_space<hbm>>
      %dma_start3A_48 = arith.constant 0 : i32
      %dma_start3A_49 = tpu.memref_slice %arg7[%dma_start3A_48] : memref<3208xi32, #tpu.memory_space<vmem>> -> memref<3200xi32, #tpu.memory_space<vmem>>
      %dma_start3A_50 = tpu.memref_slice %arg2[%mul3A_6] : memref<204800xi32, #tpu.memory_space<hbm>> -> memref<3200xi32, #tpu.memory_space<hbm>>
      tpu.enqueue_dma source(%dma_start3A_50 : memref<3200xi32, #tpu.memory_space<hbm>>) target(%dma_start3A_49 : memref<3200xi32, #tpu.memory_space<vmem>>) target_semaphore(%run_scoped3A : memref<!tpu.dma_semaphore, #tpu.memory_space<semaphore_mem>>)
      %dma_wait3A_51 = arith.constant 0 : i32
      %dma_wait3A_52 = tpu.memref_slice %arg7[%dma_wait3A_51] : memref<3208xi32, #tpu.memory_space<vmem>> -> memref<3200xi32, #tpu.memory_space<vmem>>
      %dma_wait3A_53 = tpu.memref_slice %arg2[%mul3A_6] : memref<204800xi32, #tpu.memory_space<hbm>> -> memref<3200xi32, #tpu.memory_space<hbm>>
      %dma_wait3A_54 = arith.constant 0 : i32
      %dma_wait3A_55 = tpu.memref_slice %arg7[%dma_wait3A_54] : memref<3208xi32, #tpu.memory_space<vmem>> -> memref<3200xi32, #tpu.memory_space<vmem>>
      %dma_wait3A_56 = tpu.memref_slice %arg2[%mul3A_6] : memref<204800xi32, #tpu.memory_space<hbm>> -> memref<3200xi32, #tpu.memory_space<hbm>>
      tpu.wait_dma2 semaphore(%run_scoped3A : memref<!tpu.dma_semaphore, #tpu.memory_space<semaphore_mem>>) src(%dma_wait3A_56 : memref<3200xi32, #tpu.memory_space<hbm>>) dst(%dma_wait3A_55 : memref<3200xi32, #tpu.memory_space<vmem>>)
      tpu.yield
    }) : () -> ()
    "tpu.region"() ({
      %run_scoped3A = tpu.sem_alloc : memref<!tpu.dma_semaphore, #tpu.memory_space<semaphore_mem>>
      %dma_start3A = arith.constant 0 : i32
      %dma_start3A_46 = tpu.memref_slice %arg8[%dma_start3A] : memref<3208xf32, #tpu.memory_space<vmem>> -> memref<3200xf32, #tpu.memory_space<vmem>>
      %dma_start3A_47 = tpu.memref_slice %arg3[%mul3A_6] : memref<204800xf32, #tpu.memory_space<hbm>> -> memref<3200xf32, #tpu.memory_space<hbm>>
      %dma_start3A_48 = arith.constant 0 : i32
      %dma_start3A_49 = tpu.memref_slice %arg8[%dma_start3A_48] : memref<3208xf32, #tpu.memory_space<vmem>> -> memref<3200xf32, #tpu.memory_space<vmem>>
      %dma_start3A_50 = tpu.memref_slice %arg3[%mul3A_6] : memref<204800xf32, #tpu.memory_space<hbm>> -> memref<3200xf32, #tpu.memory_space<hbm>>
      tpu.enqueue_dma source(%dma_start3A_50 : memref<3200xf32, #tpu.memory_space<hbm>>) target(%dma_start3A_49 : memref<3200xf32, #tpu.memory_space<vmem>>) target_semaphore(%run_scoped3A : memref<!tpu.dma_semaphore, #tpu.memory_space<semaphore_mem>>)
      %dma_wait3A_51 = arith.constant 0 : i32
      %dma_wait3A_52 = tpu.memref_slice %arg8[%dma_wait3A_51] : memref<3208xf32, #tpu.memory_space<vmem>> -> memref<3200xf32, #tpu.memory_space<vmem>>
      %dma_wait3A_53 = tpu.memref_slice %arg3[%mul3A_6] : memref<204800xf32, #tpu.memory_space<hbm>> -> memref<3200xf32, #tpu.memory_space<hbm>>
      %dma_wait3A_54 = arith.constant 0 : i32
      %dma_wait3A_55 = tpu.memref_slice %arg8[%dma_wait3A_54] : memref<3208xf32, #tpu.memory_space<vmem>> -> memref<3200xf32, #tpu.memory_space<vmem>>
      %dma_wait3A_56 = tpu.memref_slice %arg3[%mul3A_6] : memref<204800xf32, #tpu.memory_space<hbm>> -> memref<3200xf32, #tpu.memory_space<hbm>>
      tpu.wait_dma2 semaphore(%run_scoped3A : memref<!tpu.dma_semaphore, #tpu.memory_space<semaphore_mem>>) src(%dma_wait3A_56 : memref<3200xf32, #tpu.memory_space<hbm>>) dst(%dma_wait3A_55 : memref<3200xf32, #tpu.memory_space<vmem>>)
      tpu.yield
    }) : () -> ()
    %broadcast_in_dim3A = arith.constant 0.000000e+00 : f32
    %broadcast_in_dim3A_7 = vector.broadcast %broadcast_in_dim3A : f32 to vector<16xf32>
    %iota3A = tpu.iota {dimensions = array<i32: 0>} : vector<16xi32>
    %eq3A = arith.constant 15 : i32
    %eq3A_8 = vector.broadcast %eq3A : i32 to vector<16xi32>
    %eq3A_9 = arith.cmpi eq, %iota3A, %eq3A_8 : vector<16xi32>
    %lt3A = arith.constant 15 : i32
    %lt3A_10 = vector.broadcast %lt3A : i32 to vector<16xi32>
    %lt3A_11 = arith.cmpi slt, %iota3A, %lt3A_10 : vector<16xi32>
    %broadcast_in_dim3A_12 = arith.constant 0 : i32
    %broadcast_in_dim3A_13 = vector.broadcast %broadcast_in_dim3A_12 : i32 to vector<16xi32>
    %swap3A = arith.constant 16 : index
    %swap3A_14 = tpu.vector_load %arg13[%swap3A] {strides = array<i32>} : memref<32xi32, #tpu.memory_space<vmem>>, vector<16xi32>,
    tpu.vector_store %arg13[%swap3A], %broadcast_in_dim3A_13 {strides = array<i32>} : memref<32xi32, #tpu.memory_space<vmem>>, vector<16xi32>,
    %scan3A = arith.constant 0 : i32
    %scan3A_15 = arith.constant 0 : i32
    %scan3A_16 = arith.constant 1875 : i32
    %scan3A_17 = arith.addi %scan3A_15, %scan3A_16 : i32
    %scan3A_18 = arith.constant 1 : i32
    %scan3A_19 = scf.for %scan3A_46 = %scan3A_15 to %scan3A_17 step %scan3A_18 iter_args(%scan3A_47 = %scan3A) -> (i32)  : i32 {
      %mul3A_48 = arith.constant 16 : i32
      %mul3A_49 = arith.muli %scan3A_46, %mul3A_48 : i32
      %swap3A_50 = arith.index_cast %mul3A_49 : i32 to index
      %swap3A_51 = tpu.vector_load %arg9[%swap3A_50] {strides = array<i32>} : memref<30000xf32, #tpu.memory_space<vmem>>, vector<16xf32>,
      tpu.vector_store %arg9[%swap3A_50], %broadcast_in_dim3A_7 {strides = array<i32>} : memref<30000xf32, #tpu.memory_space<vmem>>, vector<16xf32>,
      %mul3A_52 = arith.constant 16 : i32
      %mul3A_53 = arith.muli %scan3A_46, %mul3A_52 : i32
      %swap3A_54 = arith.index_cast %mul3A_53 : i32 to index
      %swap3A_55 = tpu.vector_load %arg10[%swap3A_54] {strides = array<i32>} : memref<30000xf32, #tpu.memory_space<vmem>>, vector<16xf32>,
      tpu.vector_store %arg10[%swap3A_54], %broadcast_in_dim3A_7 {strides = array<i32>} : memref<30000xf32, #tpu.memory_space<vmem>>, vector<16xf32>,
      %scan3A_56 = arith.constant 0 : i32
      scf.yield %scan3A_56 : i32
    }
    %scan3A_20 = arith.constant 1875 : i32
    %scan3A_21 = arith.constant 0 : i32
    %scan3A_22 = arith.constant 0 : i32
    %scan3A_23 = arith.constant 8 : i32
    %scan3A_24 = arith.addi %scan3A_22, %scan3A_23 : i32
    %scan3A_25 = arith.constant 1 : i32
    %scan3A_26 = scf.for %scan3A_46 = %scan3A_22 to %scan3A_24 step %scan3A_25 iter_args(%scan3A_47 = %scan3A_21) -> (i32)  : i32 {
      %mul3A_48 = arith.constant 2 : i32
      %mul3A_49 = arith.muli %mul3A_48, %scan3A_46 : i32
      %add3A_50 = arith.constant 0 : i32
      %add3A_51 = arith.addi %mul3A_49, %add3A_50 : i32
      %mul3A_52 = arith.constant 16 : i32
      %mul3A_53 = arith.muli %add3A, %mul3A_52 : i32
      %add3A_54 = arith.addi %mul3A_53, %add3A_51 : i32
      %gt3A = arith.constant 0 : i32
      %gt3A_55 = arith.cmpi sgt, %scan3A_46, %gt3A : i32
      %convert_element_type3A = arith.extui %gt3A_55 : i1 to i32
      %cond3A = arith.constant 0 : i32
      %cond3A_56 = arith.cmpi ne, %convert_element_type3A, %cond3A : i32
      scf.if %cond3A_56 {
        %sub3A_95 = arith.constant 2 : i32
        %sub3A_96 = arith.subi %add3A_54, %sub3A_95 : i32
        %dma_wait3A_97 = arith.constant 0 : i32
        %dma_wait3A_98 = tpu.memref_slice %arg5[%sub3A_96, %dma_wait3A_97] : memref<512x30000xf32, #tpu.memory_space<hbm>> -> memref<1x30000xf32, #tpu.memory_space<hbm>>
        %dma_wait3A_99 = tpu.memref_squeeze %dma_wait3A_98 : memref<1x30000xf32, #tpu.memory_space<hbm>> -> memref<30000xf32, #tpu.memory_space<hbm>>
        %dma_wait3A_100 = arith.constant 0 : i32
        %dma_wait3A_101 = tpu.memref_slice %arg5[%sub3A_96, %dma_wait3A_100] : memref<512x30000xf32, #tpu.memory_space<hbm>> -> memref<1x30000xf32, #tpu.memory_space<hbm>>
        %dma_wait3A_102 = tpu.memref_squeeze %dma_wait3A_101 : memref<1x30000xf32, #tpu.memory_space<hbm>> -> memref<30000xf32, #tpu.memory_space<hbm>>
        tpu.wait_dma2 semaphore(%arg14 : memref<!tpu.dma_semaphore, #tpu.memory_space<semaphore_mem>>) src(%arg9 : memref<30000xf32, #tpu.memory_space<vmem>>) dst(%dma_wait3A_102 : memref<30000xf32, #tpu.memory_space<hbm>>)
        %scan3A_103 = arith.constant 0 : i32
        %scan3A_104 = arith.constant 0 : i32
        %scan3A_105 = arith.constant 13 : i32
        %scan3A_106 = arith.addi %scan3A_104, %scan3A_105 : i32
        %scan3A_107 = arith.constant 1 : i32
        %scan3A_108 = scf.for %scan3A_110 = %scan3A_104 to %scan3A_106 step %scan3A_107 iter_args(%scan3A_111 = %scan3A_103) -> (i32)  : i32 {
          %mul3A_112 = arith.constant 16 : i32
          %mul3A_113 = arith.muli %scan3A_110, %mul3A_112 : i32
          %get3A = arith.index_cast %mul3A_113 : i32 to index
          %get3A_114 = tpu.vector_load %arg11[%get3A] {strides = array<i32>} : memref<208xi32, #tpu.memory_space<vmem>>, vector<16xi32>,
          tpu.vector_store_idx %arg9[%get3A_114], %broadcast_in_dim3A_7 : memref<30000xf32, #tpu.memory_space<vmem>>[vector<16xi32>], vector<16xf32>,
          %scan3A_115 = arith.constant 0 : i32
          scf.yield %scan3A_115 : i32
        }
        %scan3A_109 = arith.constant 13 : i32
      } else {
      }
      %scan3A_57 = arith.constant 0 : i32
      %scan3A_58 = arith.constant 0 : i32
      %scan3A_59 = arith.constant 13 : i32
      %scan3A_60 = arith.addi %scan3A_58, %scan3A_59 : i32
      %scan3A_61 = arith.constant 1 : i32
      %scan3A_62 = scf.for %scan3A_95 = %scan3A_58 to %scan3A_60 step %scan3A_61 iter_args(%scan3A_96 = %scan3A_57) -> (i32)  : i32 {
        %mul3A_97 = arith.constant 200 : i32
        %mul3A_98 = arith.muli %add3A_51, %mul3A_97 : i32
        %mul3A_99 = arith.constant 16 : i32
        %mul3A_100 = arith.muli %scan3A_95, %mul3A_99 : i32
        %add3A_101 = arith.addi %mul3A_98, %mul3A_100 : i32
        %get3A = arith.index_cast %add3A_101 : i32 to index
        %get3A_102 = tpu.vector_load %arg7[%get3A] {strides = array<i32>} : memref<3208xi32, #tpu.memory_space<vmem>>, vector<16xi32>,
        %jit3A = arith.constant 0 : i32
        %jit3A_103 = arith.constant 19999 : i32
        %max3A = vector.broadcast %jit3A : i32 to vector<16xi32>
        %max3A_104 = arith.maxsi %max3A, %get3A_102 : vector<16xi32>
        %min3A = vector.broadcast %jit3A_103 : i32 to vector<16xi32>
        %min3A_105 = arith.minsi %min3A, %max3A_104 : vector<16xi32>
        %gather3A = tpu.vector_load_idx %arg6[%min3A_105] : memref<20000xi32, #tpu.memory_space<vmem>>[vector<16xi32>], vector<16xi32>,
        %mul3A_106 = arith.constant 16 : i32
        %mul3A_107 = arith.muli %scan3A_95, %mul3A_106 : i32
        %swap3A_108 = arith.index_cast %mul3A_107 : i32 to index
        %swap3A_109 = tpu.vector_load %arg11[%swap3A_108] {strides = array<i32>} : memref<208xi32, #tpu.memory_space<vmem>>, vector<16xi32>,
        tpu.vector_store %arg11[%swap3A_108], %gather3A {strides = array<i32>} : memref<208xi32, #tpu.memory_space<vmem>>, vector<16xi32>,
        %get3A_110 = arith.index_cast %add3A_101 : i32 to index
        %get3A_111 = tpu.vector_load %arg8[%get3A_110] {strides = array<i32>} : memref<3208xf32, #tpu.memory_space<vmem>>, vector<16xf32>,
        %mul3A_112 = arith.constant 16 : i32
        %mul3A_113 = arith.muli %scan3A_95, %mul3A_112 : i32
        %add3A_114 = vector.broadcast %mul3A_113 : i32 to vector<16xi32>
        %add3A_115 = arith.addi %add3A_114, %iota3A : vector<16xi32>
        %lt3A_116 = arith.constant 200 : i32
        %lt3A_117 = vector.broadcast %lt3A_116 : i32 to vector<16xi32>
        %lt3A_118 = arith.cmpi slt, %add3A_115, %lt3A_117 : vector<16xi32>
        %jit3A_119 = arith.constant 0.000000e+00 : f32
        %broadcast_in_dim3A_120 = vector.broadcast %jit3A_119 : f32 to vector<16xf32>
        %select_n3A = arith.select %lt3A_118, %get3A_111, %broadcast_in_dim3A_120 : vector<16xi1>, vector<16xf32>
        %masked_sort3A = arith.constant dense<true> : vector<16xi1>
        %masked_sort3A_121 = arith.constant -2147483648 : i32
        %masked_sort3A_122 = vector.broadcast %masked_sort3A_121 : i32 to vector<16xi32>
        %masked_sort3A_123 = arith.xori %gather3A, %masked_sort3A_122 : vector<16xi32>
        %masked_sort3A_124, %masked_sort3A_125, %masked_sort3A_126 = tpu.sort %masked_sort3A_123, %select_n3A masked %masked_sort3A : (vector<16xi32>, vector<16xf32>, vector<16xi1>) -> (vector<16xi1>, vector<16xi32>, vector<16xf32>)
        %masked_sort3A_127 = arith.xori %masked_sort3A_125, %masked_sort3A_122 : vector<16xi32>
        %broadcast_in_dim3A_128 = arith.constant true
        %broadcast_in_dim3A_129 = vector.broadcast %broadcast_in_dim3A_128 : i1 to vector<16xi1>
        %masked_cumsum3A = tpu.scan <sum>, %masked_sort3A_126 masked %broadcast_in_dim3A_129 : vector<16xf32>, vector<16xi1> -> vector<16xf32>
        %swap3A_130 = arith.constant 0 : index
        %swap3A_131 = tpu.vector_load %arg13[%swap3A_130] {strides = array<i32>} : memref<32xi32, #tpu.memory_space<vmem>>, vector<16xi32>,
        tpu.vector_store %arg13[%swap3A_130], %masked_sort3A_127 {strides = array<i32>} : memref<32xi32, #tpu.memory_space<vmem>>, vector<16xi32>,
        %get3A_132 = arith.constant 1 : index
        %get3A_133 = tpu.vector_load %arg13[%get3A_132] {strides = array<i32>} : memref<32xi32, #tpu.memory_space<vmem>>, vector<16xi32>,
        %ne3A = arith.cmpi ne, %masked_sort3A_127, %get3A_133 : vector<16xi32>
        %or3A = arith.ori %ne3A, %eq3A_9 : vector<16xi1>
        tpu.vector_store_idx %arg9[%masked_sort3A_127], %masked_cumsum3A masked %or3A {add = true} : memref<30000xf32, #tpu.memory_space<vmem>>[vector<16xi32>], vector<16xf32>, vector<16xi1>
        %neg3A = arith.constant 0.000000e+00 : f32
        %neg3A_134 = vector.broadcast %neg3A : f32 to vector<16xf32>
        %neg3A_135 = arith.subf %neg3A_134, %masked_cumsum3A : vector<16xf32>
        %and3A = arith.andi %or3A, %lt3A_11 : vector<16xi1>
        tpu.vector_store_idx %arg9[%get3A_133], %neg3A_135 masked %and3A {add = true} : memref<30000xf32, #tpu.memory_space<vmem>>[vector<16xi32>], vector<16xf32>, vector<16xi1>
        %scan3A_136 = arith.constant 0 : i32
        scf.yield %scan3A_136 : i32
      }
      %scan3A_63 = arith.constant 13 : i32
      %dma_start3A = arith.constant 0 : i32
      %dma_start3A_64 = tpu.memref_slice %arg5[%add3A_54, %dma_start3A] : memref<512x30000xf32, #tpu.memory_space<hbm>> -> memref<1x30000xf32, #tpu.memory_space<hbm>>
      %dma_start3A_65 = tpu.memref_squeeze %dma_start3A_64 : memref<1x30000xf32, #tpu.memory_space<hbm>> -> memref<30000xf32, #tpu.memory_space<hbm>>
      %dma_start3A_66 = arith.constant 0 : i32
      %dma_start3A_67 = tpu.memref_slice %arg5[%add3A_54, %dma_start3A_66] : memref<512x30000xf32, #tpu.memory_space<hbm>> -> memref<1x30000xf32, #tpu.memory_space<hbm>>
      %dma_start3A_68 = tpu.memref_squeeze %dma_start3A_67 : memref<1x30000xf32, #tpu.memory_space<hbm>> -> memref<30000xf32, #tpu.memory_space<hbm>>
      tpu.enqueue_dma source(%arg9 : memref<30000xf32, #tpu.memory_space<vmem>>) target(%dma_start3A_68 : memref<30000xf32, #tpu.memory_space<hbm>>) target_semaphore(%arg14 : memref<!tpu.dma_semaphore, #tpu.memory_space<semaphore_mem>>)
      %mul3A_69 = arith.constant 2 : i32
      %mul3A_70 = arith.muli %mul3A_69, %scan3A_46 : i32
      %add3A_71 = arith.constant 1 : i32
      %add3A_72 = arith.addi %mul3A_70, %add3A_71 : i32
      %mul3A_73 = arith.constant 16 : i32
      %mul3A_74 = arith.muli %add3A, %mul3A_73 : i32
      %add3A_75 = arith.addi %mul3A_74, %add3A_72 : i32
      %gt3A_76 = arith.constant 0 : i32
      %gt3A_77 = arith.cmpi sgt, %scan3A_46, %gt3A_76 : i32
      %convert_element_type3A_78 = arith.extui %gt3A_77 : i1 to i32
      %cond3A_79 = arith.constant 0 : i32
      %cond3A_80 = arith.cmpi ne, %convert_element_type3A_78, %cond3A_79 : i32
      scf.if %cond3A_80 {
        %sub3A_95 = arith.constant 2 : i32
        %sub3A_96 = arith.subi %add3A_75, %sub3A_95 : i32
        %dma_wait3A_97 = arith.constant 0 : i32
        %dma_wait3A_98 = tpu.memref_slice %arg5[%sub3A_96, %dma_wait3A_97] : memref<512x30000xf32, #tpu.memory_space<hbm>> -> memref<1x30000xf32, #tpu.memory_space<hbm>>
        %dma_wait3A_99 = tpu.memref_squeeze %dma_wait3A_98 : memref<1x30000xf32, #tpu.memory_space<hbm>> -> memref<30000xf32, #tpu.memory_space<hbm>>
        %dma_wait3A_100 = arith.constant 0 : i32
        %dma_wait3A_101 = tpu.memref_slice %arg5[%sub3A_96, %dma_wait3A_100] : memref<512x30000xf32, #tpu.memory_space<hbm>> -> memref<1x30000xf32, #tpu.memory_space<hbm>>
        %dma_wait3A_102 = tpu.memref_squeeze %dma_wait3A_101 : memref<1x30000xf32, #tpu.memory_space<hbm>> -> memref<30000xf32, #tpu.memory_space<hbm>>
        tpu.wait_dma2 semaphore(%arg15 : memref<!tpu.dma_semaphore, #tpu.memory_space<semaphore_mem>>) src(%arg10 : memref<30000xf32, #tpu.memory_space<vmem>>) dst(%dma_wait3A_102 : memref<30000xf32, #tpu.memory_space<hbm>>)
        %scan3A_103 = arith.constant 0 : i32
        %scan3A_104 = arith.constant 0 : i32
        %scan3A_105 = arith.constant 13 : i32
        %scan3A_106 = arith.addi %scan3A_104, %scan3A_105 : i32
        %scan3A_107 = arith.constant 1 : i32
        %scan3A_108 = scf.for %scan3A_110 = %scan3A_104 to %scan3A_106 step %scan3A_107 iter_args(%scan3A_111 = %scan3A_103) -> (i32)  : i32 {
          %mul3A_112 = arith.constant 16 : i32
          %mul3A_113 = arith.muli %scan3A_110, %mul3A_112 : i32
          %get3A = arith.index_cast %mul3A_113 : i32 to index
          %get3A_114 = tpu.vector_load %arg12[%get3A] {strides = array<i32>} : memref<208xi32, #tpu.memory_space<vmem>>, vector<16xi32>,
          tpu.vector_store_idx %arg10[%get3A_114], %broadcast_in_dim3A_7 : memref<30000xf32, #tpu.memory_space<vmem>>[vector<16xi32>], vector<16xf32>,
          %scan3A_115 = arith.constant 0 : i32
          scf.yield %scan3A_115 : i32
        }
        %scan3A_109 = arith.constant 13 : i32
      } else {
      }
      %scan3A_81 = arith.constant 0 : i32
      %scan3A_82 = arith.constant 0 : i32
      %scan3A_83 = arith.constant 13 : i32
      %scan3A_84 = arith.addi %scan3A_82, %scan3A_83 : i32
      %scan3A_85 = arith.constant 1 : i32
      %scan3A_86 = scf.for %scan3A_95 = %scan3A_82 to %scan3A_84 step %scan3A_85 iter_args(%scan3A_96 = %scan3A_81) -> (i32)  : i32 {
        %mul3A_97 = arith.constant 200 : i32
        %mul3A_98 = arith.muli %add3A_72, %mul3A_97 : i32
        %mul3A_99 = arith.constant 16 : i32
        %mul3A_100 = arith.muli %scan3A_95, %mul3A_99 : i32
        %add3A_101 = arith.addi %mul3A_98, %mul3A_100 : i32
        %get3A = arith.index_cast %add3A_101 : i32 to index
        %get3A_102 = tpu.vector_load %arg7[%get3A] {strides = array<i32>} : memref<3208xi32, #tpu.memory_space<vmem>>, vector<16xi32>,
        %jit3A = arith.constant 0 : i32
        %jit3A_103 = arith.constant 19999 : i32
        %max3A = vector.broadcast %jit3A : i32 to vector<16xi32>
        %max3A_104 = arith.maxsi %max3A, %get3A_102 : vector<16xi32>
        %min3A = vector.broadcast %jit3A_103 : i32 to vector<16xi32>
        %min3A_105 = arith.minsi %min3A, %max3A_104 : vector<16xi32>
        %gather3A = tpu.vector_load_idx %arg6[%min3A_105] : memref<20000xi32, #tpu.memory_space<vmem>>[vector<16xi32>], vector<16xi32>,
        %mul3A_106 = arith.constant 16 : i32
        %mul3A_107 = arith.muli %scan3A_95, %mul3A_106 : i32
        %swap3A_108 = arith.index_cast %mul3A_107 : i32 to index
        %swap3A_109 = tpu.vector_load %arg12[%swap3A_108] {strides = array<i32>} : memref<208xi32, #tpu.memory_space<vmem>>, vector<16xi32>,
        tpu.vector_store %arg12[%swap3A_108], %gather3A {strides = array<i32>} : memref<208xi32, #tpu.memory_space<vmem>>, vector<16xi32>,
        %get3A_110 = arith.index_cast %add3A_101 : i32 to index
        %get3A_111 = tpu.vector_load %arg8[%get3A_110] {strides = array<i32>} : memref<3208xf32, #tpu.memory_space<vmem>>, vector<16xf32>,
        %mul3A_112 = arith.constant 16 : i32
        %mul3A_113 = arith.muli %scan3A_95, %mul3A_112 : i32
        %add3A_114 = vector.broadcast %mul3A_113 : i32 to vector<16xi32>
        %add3A_115 = arith.addi %add3A_114, %iota3A : vector<16xi32>
        %lt3A_116 = arith.constant 200 : i32
        %lt3A_117 = vector.broadcast %lt3A_116 : i32 to vector<16xi32>
        %lt3A_118 = arith.cmpi slt, %add3A_115, %lt3A_117 : vector<16xi32>
        %jit3A_119 = arith.constant 0.000000e+00 : f32
        %broadcast_in_dim3A_120 = vector.broadcast %jit3A_119 : f32 to vector<16xf32>
        %select_n3A = arith.select %lt3A_118, %get3A_111, %broadcast_in_dim3A_120 : vector<16xi1>, vector<16xf32>
        %masked_sort3A = arith.constant dense<true> : vector<16xi1>
        %masked_sort3A_121 = arith.constant -2147483648 : i32
        %masked_sort3A_122 = vector.broadcast %masked_sort3A_121 : i32 to vector<16xi32>
        %masked_sort3A_123 = arith.xori %gather3A, %masked_sort3A_122 : vector<16xi32>
        %masked_sort3A_124, %masked_sort3A_125, %masked_sort3A_126 = tpu.sort %masked_sort3A_123, %select_n3A masked %masked_sort3A : (vector<16xi32>, vector<16xf32>, vector<16xi1>) -> (vector<16xi1>, vector<16xi32>, vector<16xf32>)
        %masked_sort3A_127 = arith.xori %masked_sort3A_125, %masked_sort3A_122 : vector<16xi32>
        %broadcast_in_dim3A_128 = arith.constant true
        %broadcast_in_dim3A_129 = vector.broadcast %broadcast_in_dim3A_128 : i1 to vector<16xi1>
        %masked_cumsum3A = tpu.scan <sum>, %masked_sort3A_126 masked %broadcast_in_dim3A_129 : vector<16xf32>, vector<16xi1> -> vector<16xf32>
        %swap3A_130 = arith.constant 0 : index
        %swap3A_131 = tpu.vector_load %arg13[%swap3A_130] {strides = array<i32>} : memref<32xi32, #tpu.memory_space<vmem>>, vector<16xi32>,
        tpu.vector_store %arg13[%swap3A_130], %masked_sort3A_127 {strides = array<i32>} : memref<32xi32, #tpu.memory_space<vmem>>, vector<16xi32>,
        %get3A_132 = arith.constant 1 : index
        %get3A_133 = tpu.vector_load %arg13[%get3A_132] {strides = array<i32>} : memref<32xi32, #tpu.memory_space<vmem>>, vector<16xi32>,
        %ne3A = arith.cmpi ne, %masked_sort3A_127, %get3A_133 : vector<16xi32>
        %or3A = arith.ori %ne3A, %eq3A_9 : vector<16xi1>
        tpu.vector_store_idx %arg10[%masked_sort3A_127], %masked_cumsum3A masked %or3A {add = true} : memref<30000xf32, #tpu.memory_space<vmem>>[vector<16xi32>], vector<16xf32>, vector<16xi1>
        %neg3A = arith.constant 0.000000e+00 : f32
        %neg3A_134 = vector.broadcast %neg3A : f32 to vector<16xf32>
        %neg3A_135 = arith.subf %neg3A_134, %masked_cumsum3A : vector<16xf32>
        %and3A = arith.andi %or3A, %lt3A_11 : vector<16xi1>
        tpu.vector_store_idx %arg10[%get3A_133], %neg3A_135 masked %and3A {add = true} : memref<30000xf32, #tpu.memory_space<vmem>>[vector<16xi32>], vector<16xf32>, vector<16xi1>
        %scan3A_136 = arith.constant 0 : i32
        scf.yield %scan3A_136 : i32
      }
      %scan3A_87 = arith.constant 13 : i32
      %dma_start3A_88 = arith.constant 0 : i32
      %dma_start3A_89 = tpu.memref_slice %arg5[%add3A_75, %dma_start3A_88] : memref<512x30000xf32, #tpu.memory_space<hbm>> -> memref<1x30000xf32, #tpu.memory_space<hbm>>
      %dma_start3A_90 = tpu.memref_squeeze %dma_start3A_89 : memref<1x30000xf32, #tpu.memory_space<hbm>> -> memref<30000xf32, #tpu.memory_space<hbm>>
      %dma_start3A_91 = arith.constant 0 : i32
      %dma_start3A_92 = tpu.memref_slice %arg5[%add3A_75, %dma_start3A_91] : memref<512x30000xf32, #tpu.memory_space<hbm>> -> memref<1x30000xf32, #tpu.memory_space<hbm>>
      %dma_start3A_93 = tpu.memref_squeeze %dma_start3A_92 : memref<1x30000xf32, #tpu.memory_space<hbm>> -> memref<30000xf32, #tpu.memory_space<hbm>>
      tpu.enqueue_dma source(%arg10 : memref<30000xf32, #tpu.memory_space<vmem>>) target(%dma_start3A_93 : memref<30000xf32, #tpu.memory_space<hbm>>) target_semaphore(%arg15 : memref<!tpu.dma_semaphore, #tpu.memory_space<semaphore_mem>>)
      %scan3A_94 = arith.constant 0 : i32
      scf.yield %scan3A_94 : i32
    }
    %scan3A_27 = arith.constant 8 : i32
    %mul3A_28 = arith.constant 16 : i32
    %mul3A_29 = arith.muli %add3A, %mul3A_28 : i32
    %add3A_30 = arith.constant 16 : i32
    %add3A_31 = arith.addi %mul3A_29, %add3A_30 : i32
    %sub3A = arith.constant 2 : i32
    %sub3A_32 = arith.subi %add3A_31, %sub3A : i32
    %dma_wait3A = arith.constant 0 : i32
    %dma_wait3A_33 = tpu.memref_slice %arg5[%sub3A_32, %dma_wait3A] : memref<512x30000xf32, #tpu.memory_space<hbm>> -> memref<1x30000xf32, #tpu.memory_space<hbm>>
    %dma_wait3A_34 = tpu.memref_squeeze %dma_wait3A_33 : memref<1x30000xf32, #tpu.memory_space<hbm>> -> memref<30000xf32, #tpu.memory_space<hbm>>
    %dma_wait3A_35 = arith.constant 0 : i32
    %dma_wait3A_36 = tpu.memref_slice %arg5[%sub3A_32, %dma_wait3A_35] : memref<512x30000xf32, #tpu.memory_space<hbm>> -> memref<1x30000xf32, #tpu.memory_space<hbm>>
    %dma_wait3A_37 = tpu.memref_squeeze %dma_wait3A_36 : memref<1x30000xf32, #tpu.memory_space<hbm>> -> memref<30000xf32, #tpu.memory_space<hbm>>
    tpu.wait_dma2 semaphore(%arg14 : memref<!tpu.dma_semaphore, #tpu.memory_space<semaphore_mem>>) src(%arg9 : memref<30000xf32, #tpu.memory_space<vmem>>) dst(%dma_wait3A_37 : memref<30000xf32, #tpu.memory_space<hbm>>)
    %add3A_38 = arith.constant 1 : i32
    %add3A_39 = arith.addi %sub3A_32, %add3A_38 : i32
    %dma_wait3A_40 = arith.constant 0 : i32
    %dma_wait3A_41 = tpu.memref_slice %arg5[%add3A_39, %dma_wait3A_40] : memref<512x30000xf32, #tpu.memory_space<hbm>> -> memref<1x30000xf32, #tpu.memory_space<hbm>>
    %dma_wait3A_42 = tpu.memref_squeeze %dma_wait3A_41 : memref<1x30000xf32, #tpu.memory_space<hbm>> -> memref<30000xf32, #tpu.memory_space<hbm>>
    %dma_wait3A_43 = arith.constant 0 : i32
    %dma_wait3A_44 = tpu.memref_slice %arg5[%add3A_39, %dma_wait3A_43] : memref<512x30000xf32, #tpu.memory_space<hbm>> -> memref<1x30000xf32, #tpu.memory_space<hbm>>
    %dma_wait3A_45 = tpu.memref_squeeze %dma_wait3A_44 : memref<1x30000xf32, #tpu.memory_space<hbm>> -> memref<30000xf32, #tpu.memory_space<hbm>>
    tpu.wait_dma2 semaphore(%arg15 : memref<!tpu.dma_semaphore, #tpu.memory_space<semaphore_mem>>) src(%arg10 : memref<30000xf32, #tpu.memory_space<vmem>>) dst(%dma_wait3A_45 : memref<30000xf32, #tpu.memory_space<hbm>>)
    return
  }
}

#map = affine_map<(d0, d1) -> (0)>
#map1 = affine_map<(d0, d1) -> (0, 0)>
module attributes {stable_mosaic.version = 14 : i64} {
  func.func @_ptr_body(%arg0: i32, %arg1: i32, %arg2: memref<204800xi32, #tpu.memory_space<hbm>>, %arg3: memref<204800xf32, #tpu.memory_space<hbm>>, %arg4: memref<20000xi32, #tpu.memory_space<hbm>>, %arg5: memref<512x30000xf32, #tpu.memory_space<hbm>>, %arg6: memref<20000xi32, #tpu.memory_space<vmem>>, %arg7: memref<3208xi32, #tpu.memory_space<vmem>>, %arg8: memref<3208xf32, #tpu.memory_space<vmem>>, %arg9: memref<30000xf32, #tpu.memory_space<vmem>>, %arg10: memref<30000xf32, #tpu.memory_space<vmem>>, %arg11: memref<208xi32, #tpu.memory_space<vmem>>, %arg12: memref<208xi32, #tpu.memory_space<vmem>>, %arg13: memref<32xi32, #tpu.memory_space<vmem>>, %arg14: memref<!tpu.dma_semaphore, #tpu.memory_space<semaphore_mem>>, %arg15: memref<!tpu.dma_semaphore, #tpu.memory_space<semaphore_mem>>) attributes {dimension_semantics = [#tpu.dimension_semantics<core_parallel>, #tpu.dimension_semantics<subcore_parallel>], iteration_bounds = array<i64: 2, 16>, scalar_prefetch = 0 : i64, scratch_operands = 10 : i64, tpu.core_type = #tpu.core_type<sc_vector_subcore>, window_params = [{transform_indices = #map}, {transform_indices = #map}, {transform_indices = #map}, {transform_indices = #map1}]} {
    %mul3A = arith.constant 2 : i32
    %mul3A_0 = arith.muli %arg1, %mul3A : i32
    %add3A = arith.addi %mul3A_0, %arg0 : i32
    %mul3A_1 = arith.constant 16 : i32
    %mul3A_2 = arith.muli %add3A, %mul3A_1 : i32
    %add3A_3 = arith.constant 0 : i32
    %add3A_4 = arith.addi %add3A_3, %mul3A_2 : i32
    %mul3A_5 = arith.constant 200 : i32
    %mul3A_6 = arith.muli %add3A_4, %mul3A_5 : i32
    "tpu.region"() ({
      %run_scoped3A = tpu.sem_alloc : memref<!tpu.dma_semaphore, #tpu.memory_space<semaphore_mem>>
      tpu.enqueue_dma source(%arg4 : memref<20000xi32, #tpu.memory_space<hbm>>) target(%arg6 : memref<20000xi32, #tpu.memory_space<vmem>>) target_semaphore(%run_scoped3A : memref<!tpu.dma_semaphore, #tpu.memory_space<semaphore_mem>>)
      tpu.wait_dma2 semaphore(%run_scoped3A : memref<!tpu.dma_semaphore, #tpu.memory_space<semaphore_mem>>) src(%arg4 : memref<20000xi32, #tpu.memory_space<hbm>>) dst(%arg6 : memref<20000xi32, #tpu.memory_space<vmem>>)
      tpu.yield
    }) : () -> ()
    "tpu.region"() ({
      %run_scoped3A = tpu.sem_alloc : memref<!tpu.dma_semaphore, #tpu.memory_space<semaphore_mem>>
      %dma_start3A = arith.constant 0 : i32
      %dma_start3A_46 = tpu.memref_slice %arg7[%dma_start3A] : memref<3208xi32, #tpu.memory_space<vmem>> -> memref<3200xi32, #tpu.memory_space<vmem>>
      %dma_start3A_47 = tpu.memref_slice %arg2[%mul3A_6] : memref<204800xi32, #tpu.memory_space<hbm>> -> memref<3200xi32, #tpu.memory_space<hbm>>
      %dma_start3A_48 = arith.constant 0 : i32
      %dma_start3A_49 = tpu.memref_slice %arg7[%dma_start3A_48] : memref<3208xi32, #tpu.memory_space<vmem>> -> memref<3200xi32, #tpu.memory_space<vmem>>
      %dma_start3A_50 = tpu.memref_slice %arg2[%mul3A_6] : memref<204800xi32, #tpu.memory_space<hbm>> -> memref<3200xi32, #tpu.memory_space<hbm>>
      tpu.enqueue_dma source(%dma_start3A_50 : memref<3200xi32, #tpu.memory_space<hbm>>) target(%dma_start3A_49 : memref<3200xi32, #tpu.memory_space<vmem>>) target_semaphore(%run_scoped3A : memref<!tpu.dma_semaphore, #tpu.memory_space<semaphore_mem>>)
      %dma_wait3A_51 = arith.constant 0 : i32
      %dma_wait3A_52 = tpu.memref_slice %arg7[%dma_wait3A_51] : memref<3208xi32, #tpu.memory_space<vmem>> -> memref<3200xi32, #tpu.memory_space<vmem>>
      %dma_wait3A_53 = tpu.memref_slice %arg2[%mul3A_6] : memref<204800xi32, #tpu.memory_space<hbm>> -> memref<3200xi32, #tpu.memory_space<hbm>>
      %dma_wait3A_54 = arith.constant 0 : i32
      %dma_wait3A_55 = tpu.memref_slice %arg7[%dma_wait3A_54] : memref<3208xi32, #tpu.memory_space<vmem>> -> memref<3200xi32, #tpu.memory_space<vmem>>
      %dma_wait3A_56 = tpu.memref_slice %arg2[%mul3A_6] : memref<204800xi32, #tpu.memory_space<hbm>> -> memref<3200xi32, #tpu.memory_space<hbm>>
      tpu.wait_dma2 semaphore(%run_scoped3A : memref<!tpu.dma_semaphore, #tpu.memory_space<semaphore_mem>>) src(%dma_wait3A_56 : memref<3200xi32, #tpu.memory_space<hbm>>) dst(%dma_wait3A_55 : memref<3200xi32, #tpu.memory_space<vmem>>)
      tpu.yield
    }) : () -> ()
    "tpu.region"() ({
      %run_scoped3A = tpu.sem_alloc : memref<!tpu.dma_semaphore, #tpu.memory_space<semaphore_mem>>
      %dma_start3A = arith.constant 0 : i32
      %dma_start3A_46 = tpu.memref_slice %arg8[%dma_start3A] : memref<3208xf32, #tpu.memory_space<vmem>> -> memref<3200xf32, #tpu.memory_space<vmem>>
      %dma_start3A_47 = tpu.memref_slice %arg3[%mul3A_6] : memref<204800xf32, #tpu.memory_space<hbm>> -> memref<3200xf32, #tpu.memory_space<hbm>>
      %dma_start3A_48 = arith.constant 0 : i32
      %dma_start3A_49 = tpu.memref_slice %arg8[%dma_start3A_48] : memref<3208xf32, #tpu.memory_space<vmem>> -> memref<3200xf32, #tpu.memory_space<vmem>>
      %dma_start3A_50 = tpu.memref_slice %arg3[%mul3A_6] : memref<204800xf32, #tpu.memory_space<hbm>> -> memref<3200xf32, #tpu.memory_space<hbm>>
      tpu.enqueue_dma source(%dma_start3A_50 : memref<3200xf32, #tpu.memory_space<hbm>>) target(%dma_start3A_49 : memref<3200xf32, #tpu.memory_space<vmem>>) target_semaphore(%run_scoped3A : memref<!tpu.dma_semaphore, #tpu.memory_space<semaphore_mem>>)
      %dma_wait3A_51 = arith.constant 0 : i32
      %dma_wait3A_52 = tpu.memref_slice %arg8[%dma_wait3A_51] : memref<3208xf32, #tpu.memory_space<vmem>> -> memref<3200xf32, #tpu.memory_space<vmem>>
      %dma_wait3A_53 = tpu.memref_slice %arg3[%mul3A_6] : memref<204800xf32, #tpu.memory_space<hbm>> -> memref<3200xf32, #tpu.memory_space<hbm>>
      %dma_wait3A_54 = arith.constant 0 : i32
      %dma_wait3A_55 = tpu.memref_slice %arg8[%dma_wait3A_54] : memref<3208xf32, #tpu.memory_space<vmem>> -> memref<3200xf32, #tpu.memory_space<vmem>>
      %dma_wait3A_56 = tpu.memref_slice %arg3[%mul3A_6] : memref<204800xf32, #tpu.memory_space<hbm>> -> memref<3200xf32, #tpu.memory_space<hbm>>
      tpu.wait_dma2 semaphore(%run_scoped3A : memref<!tpu.dma_semaphore, #tpu.memory_space<semaphore_mem>>) src(%dma_wait3A_56 : memref<3200xf32, #tpu.memory_space<hbm>>) dst(%dma_wait3A_55 : memref<3200xf32, #tpu.memory_space<vmem>>)
      tpu.yield
    }) : () -> ()
    %broadcast_in_dim3A = arith.constant 0.000000e+00 : f32
    %broadcast_in_dim3A_7 = vector.broadcast %broadcast_in_dim3A : f32 to vector<16xf32>
    %iota3A = tpu.iota {dimensions = array<i32: 0>} : vector<16xi32>
    %eq3A = arith.constant 15 : i32
    %eq3A_8 = vector.broadcast %eq3A : i32 to vector<16xi32>
    %eq3A_9 = arith.cmpi eq, %iota3A, %eq3A_8 : vector<16xi32>
    %lt3A = arith.constant 15 : i32
    %lt3A_10 = vector.broadcast %lt3A : i32 to vector<16xi32>
    %lt3A_11 = arith.cmpi slt, %iota3A, %lt3A_10 : vector<16xi32>
    %broadcast_in_dim3A_12 = arith.constant 0 : i32
    %broadcast_in_dim3A_13 = vector.broadcast %broadcast_in_dim3A_12 : i32 to vector<16xi32>
    %swap3A = arith.constant 16 : index
    %swap3A_14 = tpu.vector_load %arg13[%swap3A] {strides = array<i32>} : memref<32xi32, #tpu.memory_space<vmem>>, vector<16xi32>,
    tpu.vector_store %arg13[%swap3A], %broadcast_in_dim3A_13 {strides = array<i32>} : memref<32xi32, #tpu.memory_space<vmem>>, vector<16xi32>,
    %scan3A = arith.constant 0 : i32
    %scan3A_15 = arith.constant 0 : i32
    %scan3A_16 = arith.constant 1875 : i32
    %scan3A_17 = arith.addi %scan3A_15, %scan3A_16 : i32
    %scan3A_18 = arith.constant 1 : i32
    %scan3A_19 = scf.for %scan3A_46 = %scan3A_15 to %scan3A_17 step %scan3A_18 iter_args(%scan3A_47 = %scan3A) -> (i32)  : i32 {
      %mul3A_48 = arith.constant 16 : i32
      %mul3A_49 = arith.muli %scan3A_46, %mul3A_48 : i32
      %swap3A_50 = arith.index_cast %mul3A_49 : i32 to index
      %swap3A_51 = tpu.vector_load %arg9[%swap3A_50] {strides = array<i32>} : memref<30000xf32, #tpu.memory_space<vmem>>, vector<16xf32>,
      tpu.vector_store %arg9[%swap3A_50], %broadcast_in_dim3A_7 {strides = array<i32>} : memref<30000xf32, #tpu.memory_space<vmem>>, vector<16xf32>,
      %mul3A_52 = arith.constant 16 : i32
      %mul3A_53 = arith.muli %scan3A_46, %mul3A_52 : i32
      %swap3A_54 = arith.index_cast %mul3A_53 : i32 to index
      %swap3A_55 = tpu.vector_load %arg10[%swap3A_54] {strides = array<i32>} : memref<30000xf32, #tpu.memory_space<vmem>>, vector<16xf32>,
      tpu.vector_store %arg10[%swap3A_54], %broadcast_in_dim3A_7 {strides = array<i32>} : memref<30000xf32, #tpu.memory_space<vmem>>, vector<16xf32>,
      %scan3A_56 = arith.constant 0 : i32
      scf.yield %scan3A_56 : i32
    }
    %scan3A_20 = arith.constant 1875 : i32
    %scan3A_21 = arith.constant 0 : i32
    %scan3A_22 = arith.constant 0 : i32
    %scan3A_23 = arith.constant 8 : i32
    %scan3A_24 = arith.addi %scan3A_22, %scan3A_23 : i32
    %scan3A_25 = arith.constant 1 : i32
    %scan3A_26 = scf.for %scan3A_46 = %scan3A_22 to %scan3A_24 step %scan3A_25 iter_args(%scan3A_47 = %scan3A_21) -> (i32)  : i32 {
      %mul3A_48 = arith.constant 2 : i32
      %mul3A_49 = arith.muli %mul3A_48, %scan3A_46 : i32
      %add3A_50 = arith.constant 0 : i32
      %add3A_51 = arith.addi %mul3A_49, %add3A_50 : i32
      %mul3A_52 = arith.constant 16 : i32
      %mul3A_53 = arith.muli %add3A, %mul3A_52 : i32
      %add3A_54 = arith.addi %mul3A_53, %add3A_51 : i32
      %gt3A = arith.constant 0 : i32
      %gt3A_55 = arith.cmpi sgt, %scan3A_46, %gt3A : i32
      %convert_element_type3A = arith.extui %gt3A_55 : i1 to i32
      %cond3A = arith.constant 0 : i32
      %cond3A_56 = arith.cmpi ne, %convert_element_type3A, %cond3A : i32
      scf.if %cond3A_56 {
        %sub3A_95 = arith.constant 2 : i32
        %sub3A_96 = arith.subi %add3A_54, %sub3A_95 : i32
        %dma_wait3A_97 = arith.constant 0 : i32
        %dma_wait3A_98 = tpu.memref_slice %arg5[%sub3A_96, %dma_wait3A_97] : memref<512x30000xf32, #tpu.memory_space<hbm>> -> memref<1x30000xf32, #tpu.memory_space<hbm>>
        %dma_wait3A_99 = tpu.memref_squeeze %dma_wait3A_98 : memref<1x30000xf32, #tpu.memory_space<hbm>> -> memref<30000xf32, #tpu.memory_space<hbm>>
        %dma_wait3A_100 = arith.constant 0 : i32
        %dma_wait3A_101 = tpu.memref_slice %arg5[%sub3A_96, %dma_wait3A_100] : memref<512x30000xf32, #tpu.memory_space<hbm>> -> memref<1x30000xf32, #tpu.memory_space<hbm>>
        %dma_wait3A_102 = tpu.memref_squeeze %dma_wait3A_101 : memref<1x30000xf32, #tpu.memory_space<hbm>> -> memref<30000xf32, #tpu.memory_space<hbm>>
        tpu.wait_dma2 semaphore(%arg14 : memref<!tpu.dma_semaphore, #tpu.memory_space<semaphore_mem>>) src(%arg9 : memref<30000xf32, #tpu.memory_space<vmem>>) dst(%dma_wait3A_102 : memref<30000xf32, #tpu.memory_space<hbm>>)
        %scan3A_103 = arith.constant 0 : i32
        %scan3A_104 = arith.constant 0 : i32
        %scan3A_105 = arith.constant 13 : i32
        %scan3A_106 = arith.addi %scan3A_104, %scan3A_105 : i32
        %scan3A_107 = arith.constant 1 : i32
        %scan3A_108 = scf.for %scan3A_110 = %scan3A_104 to %scan3A_106 step %scan3A_107 iter_args(%scan3A_111 = %scan3A_103) -> (i32)  : i32 {
          %mul3A_112 = arith.constant 16 : i32
          %mul3A_113 = arith.muli %scan3A_110, %mul3A_112 : i32
          %get3A = arith.index_cast %mul3A_113 : i32 to index
          %get3A_114 = tpu.vector_load %arg11[%get3A] {strides = array<i32>} : memref<208xi32, #tpu.memory_space<vmem>>, vector<16xi32>,
          tpu.vector_store_idx %arg9[%get3A_114], %broadcast_in_dim3A_7 : memref<30000xf32, #tpu.memory_space<vmem>>[vector<16xi32>], vector<16xf32>,
          %scan3A_115 = arith.constant 0 : i32
          scf.yield %scan3A_115 : i32
        }
        %scan3A_109 = arith.constant 13 : i32
      } else {
      }
      %scan3A_57 = arith.constant 0 : i32
      %scan3A_58 = arith.constant 0 : i32
      %scan3A_59 = arith.constant 13 : i32
      %scan3A_60 = arith.addi %scan3A_58, %scan3A_59 : i32
      %scan3A_61 = arith.constant 1 : i32
      %scan3A_62 = scf.for %scan3A_95 = %scan3A_58 to %scan3A_60 step %scan3A_61 iter_args(%scan3A_96 = %scan3A_57) -> (i32)  : i32 {
        %mul3A_97 = arith.constant 200 : i32
        %mul3A_98 = arith.muli %add3A_51, %mul3A_97 : i32
        %mul3A_99 = arith.constant 16 : i32
        %mul3A_100 = arith.muli %scan3A_95, %mul3A_99 : i32
        %add3A_101 = arith.addi %mul3A_98, %mul3A_100 : i32
        %get3A = arith.index_cast %add3A_101 : i32 to index
        %get3A_102 = tpu.vector_load %arg7[%get3A] {strides = array<i32>} : memref<3208xi32, #tpu.memory_space<vmem>>, vector<16xi32>,
        %jit3A = arith.constant 0 : i32
        %jit3A_103 = arith.constant 19999 : i32
        %max3A = vector.broadcast %jit3A : i32 to vector<16xi32>
        %max3A_104 = arith.maxsi %max3A, %get3A_102 : vector<16xi32>
        %min3A = vector.broadcast %jit3A_103 : i32 to vector<16xi32>
        %min3A_105 = arith.minsi %min3A, %max3A_104 : vector<16xi32>
        %gather3A = tpu.vector_load_idx %arg6[%min3A_105] : memref<20000xi32, #tpu.memory_space<vmem>>[vector<16xi32>], vector<16xi32>,
        %mul3A_106 = arith.constant 16 : i32
        %mul3A_107 = arith.muli %scan3A_95, %mul3A_106 : i32
        %swap3A_108 = arith.index_cast %mul3A_107 : i32 to index
        %swap3A_109 = tpu.vector_load %arg11[%swap3A_108] {strides = array<i32>} : memref<208xi32, #tpu.memory_space<vmem>>, vector<16xi32>,
        tpu.vector_store %arg11[%swap3A_108], %gather3A {strides = array<i32>} : memref<208xi32, #tpu.memory_space<vmem>>, vector<16xi32>,
        %get3A_110 = arith.index_cast %add3A_101 : i32 to index
        %get3A_111 = tpu.vector_load %arg8[%get3A_110] {strides = array<i32>} : memref<3208xf32, #tpu.memory_space<vmem>>, vector<16xf32>,
        %mul3A_112 = arith.constant 16 : i32
        %mul3A_113 = arith.muli %scan3A_95, %mul3A_112 : i32
        %add3A_114 = vector.broadcast %mul3A_113 : i32 to vector<16xi32>
        %add3A_115 = arith.addi %add3A_114, %iota3A : vector<16xi32>
        %lt3A_116 = arith.constant 200 : i32
        %lt3A_117 = vector.broadcast %lt3A_116 : i32 to vector<16xi32>
        %lt3A_118 = arith.cmpi slt, %add3A_115, %lt3A_117 : vector<16xi32>
        %jit3A_119 = arith.constant 0.000000e+00 : f32
        %broadcast_in_dim3A_120 = vector.broadcast %jit3A_119 : f32 to vector<16xf32>
        %select_n3A = arith.select %lt3A_118, %get3A_111, %broadcast_in_dim3A_120 : vector<16xi1>, vector<16xf32>
        %masked_sort3A = arith.constant dense<true> : vector<16xi1>
        %masked_sort3A_121 = arith.constant -2147483648 : i32
        %masked_sort3A_122 = vector.broadcast %masked_sort3A_121 : i32 to vector<16xi32>
        %masked_sort3A_123 = arith.xori %gather3A, %masked_sort3A_122 : vector<16xi32>
        %masked_sort3A_124, %masked_sort3A_125, %masked_sort3A_126 = tpu.sort %masked_sort3A_123, %select_n3A masked %masked_sort3A : (vector<16xi32>, vector<16xf32>, vector<16xi1>) -> (vector<16xi1>, vector<16xi32>, vector<16xf32>)
        %masked_sort3A_127 = arith.xori %masked_sort3A_125, %masked_sort3A_122 : vector<16xi32>
        %broadcast_in_dim3A_128 = arith.constant true
        %broadcast_in_dim3A_129 = vector.broadcast %broadcast_in_dim3A_128 : i1 to vector<16xi1>
        %masked_cumsum3A = tpu.scan <sum>, %masked_sort3A_126 masked %broadcast_in_dim3A_129 : vector<16xf32>, vector<16xi1> -> vector<16xf32>
        %swap3A_130 = arith.constant 0 : index
        %swap3A_131 = tpu.vector_load %arg13[%swap3A_130] {strides = array<i32>} : memref<32xi32, #tpu.memory_space<vmem>>, vector<16xi32>,
        tpu.vector_store %arg13[%swap3A_130], %masked_sort3A_127 {strides = array<i32>} : memref<32xi32, #tpu.memory_space<vmem>>, vector<16xi32>,
        %get3A_132 = arith.constant 1 : index
        %get3A_133 = tpu.vector_load %arg13[%get3A_132] {strides = array<i32>} : memref<32xi32, #tpu.memory_space<vmem>>, vector<16xi32>,
        %ne3A = arith.cmpi ne, %masked_sort3A_127, %get3A_133 : vector<16xi32>
        %or3A = arith.ori %ne3A, %eq3A_9 : vector<16xi1>
        tpu.vector_store_idx %arg9[%masked_sort3A_127], %masked_cumsum3A masked %or3A {add = true} : memref<30000xf32, #tpu.memory_space<vmem>>[vector<16xi32>], vector<16xf32>, vector<16xi1>
        %neg3A = arith.constant 0.000000e+00 : f32
        %neg3A_134 = vector.broadcast %neg3A : f32 to vector<16xf32>
        %neg3A_135 = arith.subf %neg3A_134, %masked_cumsum3A : vector<16xf32>
        %and3A = arith.andi %or3A, %lt3A_11 : vector<16xi1>
        tpu.vector_store_idx %arg9[%get3A_133], %neg3A_135 masked %and3A {add = true} : memref<30000xf32, #tpu.memory_space<vmem>>[vector<16xi32>], vector<16xf32>, vector<16xi1>
        %scan3A_136 = arith.constant 0 : i32
        scf.yield %scan3A_136 : i32
      }
      %scan3A_63 = arith.constant 13 : i32
      %dma_start3A = arith.constant 0 : i32
      %dma_start3A_64 = tpu.memref_slice %arg5[%add3A_54, %dma_start3A] : memref<512x30000xf32, #tpu.memory_space<hbm>> -> memref<1x30000xf32, #tpu.memory_space<hbm>>
      %dma_start3A_65 = tpu.memref_squeeze %dma_start3A_64 : memref<1x30000xf32, #tpu.memory_space<hbm>> -> memref<30000xf32, #tpu.memory_space<hbm>>
      %dma_start3A_66 = arith.constant 0 : i32
      %dma_start3A_67 = tpu.memref_slice %arg5[%add3A_54, %dma_start3A_66] : memref<512x30000xf32, #tpu.memory_space<hbm>> -> memref<1x30000xf32, #tpu.memory_space<hbm>>
      %dma_start3A_68 = tpu.memref_squeeze %dma_start3A_67 : memref<1x30000xf32, #tpu.memory_space<hbm>> -> memref<30000xf32, #tpu.memory_space<hbm>>
      tpu.enqueue_dma source(%arg9 : memref<30000xf32, #tpu.memory_space<vmem>>) target(%dma_start3A_68 : memref<30000xf32, #tpu.memory_space<hbm>>) target_semaphore(%arg14 : memref<!tpu.dma_semaphore, #tpu.memory_space<semaphore_mem>>)
      %mul3A_69 = arith.constant 2 : i32
      %mul3A_70 = arith.muli %mul3A_69, %scan3A_46 : i32
      %add3A_71 = arith.constant 1 : i32
      %add3A_72 = arith.addi %mul3A_70, %add3A_71 : i32
      %mul3A_73 = arith.constant 16 : i32
      %mul3A_74 = arith.muli %add3A, %mul3A_73 : i32
      %add3A_75 = arith.addi %mul3A_74, %add3A_72 : i32
      %gt3A_76 = arith.constant 0 : i32
      %gt3A_77 = arith.cmpi sgt, %scan3A_46, %gt3A_76 : i32
      %convert_element_type3A_78 = arith.extui %gt3A_77 : i1 to i32
      %cond3A_79 = arith.constant 0 : i32
      %cond3A_80 = arith.cmpi ne, %convert_element_type3A_78, %cond3A_79 : i32
      scf.if %cond3A_80 {
        %sub3A_95 = arith.constant 2 : i32
        %sub3A_96 = arith.subi %add3A_75, %sub3A_95 : i32
        %dma_wait3A_97 = arith.constant 0 : i32
        %dma_wait3A_98 = tpu.memref_slice %arg5[%sub3A_96, %dma_wait3A_97] : memref<512x30000xf32, #tpu.memory_space<hbm>> -> memref<1x30000xf32, #tpu.memory_space<hbm>>
        %dma_wait3A_99 = tpu.memref_squeeze %dma_wait3A_98 : memref<1x30000xf32, #tpu.memory_space<hbm>> -> memref<30000xf32, #tpu.memory_space<hbm>>
        %dma_wait3A_100 = arith.constant 0 : i32
        %dma_wait3A_101 = tpu.memref_slice %arg5[%sub3A_96, %dma_wait3A_100] : memref<512x30000xf32, #tpu.memory_space<hbm>> -> memref<1x30000xf32, #tpu.memory_space<hbm>>
        %dma_wait3A_102 = tpu.memref_squeeze %dma_wait3A_101 : memref<1x30000xf32, #tpu.memory_space<hbm>> -> memref<30000xf32, #tpu.memory_space<hbm>>
        tpu.wait_dma2 semaphore(%arg15 : memref<!tpu.dma_semaphore, #tpu.memory_space<semaphore_mem>>) src(%arg10 : memref<30000xf32, #tpu.memory_space<vmem>>) dst(%dma_wait3A_102 : memref<30000xf32, #tpu.memory_space<hbm>>)
        %scan3A_103 = arith.constant 0 : i32
        %scan3A_104 = arith.constant 0 : i32
        %scan3A_105 = arith.constant 13 : i32
        %scan3A_106 = arith.addi %scan3A_104, %scan3A_105 : i32
        %scan3A_107 = arith.constant 1 : i32
        %scan3A_108 = scf.for %scan3A_110 = %scan3A_104 to %scan3A_106 step %scan3A_107 iter_args(%scan3A_111 = %scan3A_103) -> (i32)  : i32 {
          %mul3A_112 = arith.constant 16 : i32
          %mul3A_113 = arith.muli %scan3A_110, %mul3A_112 : i32
          %get3A = arith.index_cast %mul3A_113 : i32 to index
          %get3A_114 = tpu.vector_load %arg12[%get3A] {strides = array<i32>} : memref<208xi32, #tpu.memory_space<vmem>>, vector<16xi32>,
          tpu.vector_store_idx %arg10[%get3A_114], %broadcast_in_dim3A_7 : memref<30000xf32, #tpu.memory_space<vmem>>[vector<16xi32>], vector<16xf32>,
          %scan3A_115 = arith.constant 0 : i32
          scf.yield %scan3A_115 : i32
        }
        %scan3A_109 = arith.constant 13 : i32
      } else {
      }
      %scan3A_81 = arith.constant 0 : i32
      %scan3A_82 = arith.constant 0 : i32
      %scan3A_83 = arith.constant 13 : i32
      %scan3A_84 = arith.addi %scan3A_82, %scan3A_83 : i32
      %scan3A_85 = arith.constant 1 : i32
      %scan3A_86 = scf.for %scan3A_95 = %scan3A_82 to %scan3A_84 step %scan3A_85 iter_args(%scan3A_96 = %scan3A_81) -> (i32)  : i32 {
        %mul3A_97 = arith.constant 200 : i32
        %mul3A_98 = arith.muli %add3A_72, %mul3A_97 : i32
        %mul3A_99 = arith.constant 16 : i32
        %mul3A_100 = arith.muli %scan3A_95, %mul3A_99 : i32
        %add3A_101 = arith.addi %mul3A_98, %mul3A_100 : i32
        %get3A = arith.index_cast %add3A_101 : i32 to index
        %get3A_102 = tpu.vector_load %arg7[%get3A] {strides = array<i32>} : memref<3208xi32, #tpu.memory_space<vmem>>, vector<16xi32>,
        %jit3A = arith.constant 0 : i32
        %jit3A_103 = arith.constant 19999 : i32
        %max3A = vector.broadcast %jit3A : i32 to vector<16xi32>
        %max3A_104 = arith.maxsi %max3A, %get3A_102 : vector<16xi32>
        %min3A = vector.broadcast %jit3A_103 : i32 to vector<16xi32>
        %min3A_105 = arith.minsi %min3A, %max3A_104 : vector<16xi32>
        %gather3A = tpu.vector_load_idx %arg6[%min3A_105] : memref<20000xi32, #tpu.memory_space<vmem>>[vector<16xi32>], vector<16xi32>,
        %mul3A_106 = arith.constant 16 : i32
        %mul3A_107 = arith.muli %scan3A_95, %mul3A_106 : i32
        %swap3A_108 = arith.index_cast %mul3A_107 : i32 to index
        %swap3A_109 = tpu.vector_load %arg12[%swap3A_108] {strides = array<i32>} : memref<208xi32, #tpu.memory_space<vmem>>, vector<16xi32>,
        tpu.vector_store %arg12[%swap3A_108], %gather3A {strides = array<i32>} : memref<208xi32, #tpu.memory_space<vmem>>, vector<16xi32>,
        %get3A_110 = arith.index_cast %add3A_101 : i32 to index
        %get3A_111 = tpu.vector_load %arg8[%get3A_110] {strides = array<i32>} : memref<3208xf32, #tpu.memory_space<vmem>>, vector<16xf32>,
        %mul3A_112 = arith.constant 16 : i32
        %mul3A_113 = arith.muli %scan3A_95, %mul3A_112 : i32
        %add3A_114 = vector.broadcast %mul3A_113 : i32 to vector<16xi32>
        %add3A_115 = arith.addi %add3A_114, %iota3A : vector<16xi32>
        %lt3A_116 = arith.constant 200 : i32
        %lt3A_117 = vector.broadcast %lt3A_116 : i32 to vector<16xi32>
        %lt3A_118 = arith.cmpi slt, %add3A_115, %lt3A_117 : vector<16xi32>
        %jit3A_119 = arith.constant 0.000000e+00 : f32
        %broadcast_in_dim3A_120 = vector.broadcast %jit3A_119 : f32 to vector<16xf32>
        %select_n3A = arith.select %lt3A_118, %get3A_111, %broadcast_in_dim3A_120 : vector<16xi1>, vector<16xf32>
        %masked_sort3A = arith.constant dense<true> : vector<16xi1>
        %masked_sort3A_121 = arith.constant -2147483648 : i32
        %masked_sort3A_122 = vector.broadcast %masked_sort3A_121 : i32 to vector<16xi32>
        %masked_sort3A_123 = arith.xori %gather3A, %masked_sort3A_122 : vector<16xi32>
        %masked_sort3A_124, %masked_sort3A_125, %masked_sort3A_126 = tpu.sort %masked_sort3A_123, %select_n3A masked %masked_sort3A : (vector<16xi32>, vector<16xf32>, vector<16xi1>) -> (vector<16xi1>, vector<16xi32>, vector<16xf32>)
        %masked_sort3A_127 = arith.xori %masked_sort3A_125, %masked_sort3A_122 : vector<16xi32>
        %broadcast_in_dim3A_128 = arith.constant true
        %broadcast_in_dim3A_129 = vector.broadcast %broadcast_in_dim3A_128 : i1 to vector<16xi1>
        %masked_cumsum3A = tpu.scan <sum>, %masked_sort3A_126 masked %broadcast_in_dim3A_129 : vector<16xf32>, vector<16xi1> -> vector<16xf32>
        %swap3A_130 = arith.constant 0 : index
        %swap3A_131 = tpu.vector_load %arg13[%swap3A_130] {strides = array<i32>} : memref<32xi32, #tpu.memory_space<vmem>>, vector<16xi32>,
        tpu.vector_store %arg13[%swap3A_130], %masked_sort3A_127 {strides = array<i32>} : memref<32xi32, #tpu.memory_space<vmem>>, vector<16xi32>,
        %get3A_132 = arith.constant 1 : index
        %get3A_133 = tpu.vector_load %arg13[%get3A_132] {strides = array<i32>} : memref<32xi32, #tpu.memory_space<vmem>>, vector<16xi32>,
        %ne3A = arith.cmpi ne, %masked_sort3A_127, %get3A_133 : vector<16xi32>
        %or3A = arith.ori %ne3A, %eq3A_9 : vector<16xi1>
        tpu.vector_store_idx %arg10[%masked_sort3A_127], %masked_cumsum3A masked %or3A {add = true} : memref<30000xf32, #tpu.memory_space<vmem>>[vector<16xi32>], vector<16xf32>, vector<16xi1>
        %neg3A = arith.constant 0.000000e+00 : f32
        %neg3A_134 = vector.broadcast %neg3A : f32 to vector<16xf32>
        %neg3A_135 = arith.subf %neg3A_134, %masked_cumsum3A : vector<16xf32>
        %and3A = arith.andi %or3A, %lt3A_11 : vector<16xi1>
        tpu.vector_store_idx %arg10[%get3A_133], %neg3A_135 masked %and3A {add = true} : memref<30000xf32, #tpu.memory_space<vmem>>[vector<16xi32>], vector<16xf32>, vector<16xi1>
        %scan3A_136 = arith.constant 0 : i32
        scf.yield %scan3A_136 : i32
      }
      %scan3A_87 = arith.constant 13 : i32
      %dma_start3A_88 = arith.constant 0 : i32
      %dma_start3A_89 = tpu.memref_slice %arg5[%add3A_75, %dma_start3A_88] : memref<512x30000xf32, #tpu.memory_space<hbm>> -> memref<1x30000xf32, #tpu.memory_space<hbm>>
      %dma_start3A_90 = tpu.memref_squeeze %dma_start3A_89 : memref<1x30000xf32, #tpu.memory_space<hbm>> -> memref<30000xf32, #tpu.memory_space<hbm>>
      %dma_start3A_91 = arith.constant 0 : i32
      %dma_start3A_92 = tpu.memref_slice %arg5[%add3A_75, %dma_start3A_91] : memref<512x30000xf32, #tpu.memory_space<hbm>> -> memref<1x30000xf32, #tpu.memory_space<hbm>>
      %dma_start3A_93 = tpu.memref_squeeze %dma_start3A_92 : memref<1x30000xf32, #tpu.memory_space<hbm>> -> memref<30000xf32, #tpu.memory_space<hbm>>
      tpu.enqueue_dma source(%arg10 : memref<30000xf32, #tpu.memory_space<vmem>>) target(%dma_start3A_93 : memref<30000xf32, #tpu.memory_space<hbm>>) target_semaphore(%arg15 : memref<!tpu.dma_semaphore, #tpu.memory_space<semaphore_mem>>)
      %scan3A_94 = arith.constant 0 : i32
      scf.yield %scan3A_94 : i32
    }
    %scan3A_27 = arith.constant 8 : i32
    %mul3A_28 = arith.constant 16 : i32
    %mul3A_29 = arith.muli %add3A, %mul3A_28 : i32
    %add3A_30 = arith.constant 16 : i32
    %add3A_31 = arith.addi %mul3A_29, %add3A_30 : i32
    %sub3A = arith.constant 2 : i32
    %sub3A_32 = arith.subi %add3A_31, %sub3A : i32
    %dma_wait3A = arith.constant 0 : i32
    %dma_wait3A_33 = tpu.memref_slice %arg5[%sub3A_32, %dma_wait3A] : memref<512x30000xf32, #tpu.memory_space<hbm>> -> memref<1x30000xf32, #tpu.memory_space<hbm>>
    %dma_wait3A_34 = tpu.memref_squeeze %dma_wait3A_33 : memref<1x30000xf32, #tpu.memory_space<hbm>> -> memref<30000xf32, #tpu.memory_space<hbm>>
    %dma_wait3A_35 = arith.constant 0 : i32
    %dma_wait3A_36 = tpu.memref_slice %arg5[%sub3A_32, %dma_wait3A_35] : memref<512x30000xf32, #tpu.memory_space<hbm>> -> memref<1x30000xf32, #tpu.memory_space<hbm>>
    %dma_wait3A_37 = tpu.memref_squeeze %dma_wait3A_36 : memref<1x30000xf32, #tpu.memory_space<hbm>> -> memref<30000xf32, #tpu.memory_space<hbm>>
    tpu.wait_dma2 semaphore(%arg14 : memref<!tpu.dma_semaphore, #tpu.memory_space<semaphore_mem>>) src(%arg9 : memref<30000xf32, #tpu.memory_space<vmem>>) dst(%dma_wait3A_37 : memref<30000xf32, #tpu.memory_space<hbm>>)
    %add3A_38 = arith.constant 1 : i32
    %add3A_39 = arith.addi %sub3A_32, %add3A_38 : i32
    %dma_wait3A_40 = arith.constant 0 : i32
    %dma_wait3A_41 = tpu.memref_slice %arg5[%add3A_39, %dma_wait3A_40] : memref<512x30000xf32, #tpu.memory_space<hbm>> -> memref<1x30000xf32, #tpu.memory_space<hbm>>
    %dma_wait3A_42 = tpu.memref_squeeze %dma_wait3A_41 : memref<1x30000xf32, #tpu.memory_space<hbm>> -> memref<30000xf32, #tpu.memory_space<hbm>>
    %dma_wait3A_43 = arith.constant 0 : i32
    %dma_wait3A_44 = tpu.memref_slice %arg5[%add3A_39, %dma_wait3A_43] : memref<512x30000xf32, #tpu.memory_space<hbm>> -> memref<1x30000xf32, #tpu.memory_space<hbm>>
    %dma_wait3A_45 = tpu.memref_squeeze %dma_wait3A_44 : memref<1x30000xf32, #tpu.memory_space<hbm>> -> memref<30000xf32, #tpu.memory_space<hbm>>
    tpu.wait_dma2 semaphore(%arg15 : memref<!tpu.dma_semaphore, #tpu.memory_space<semaphore_mem>>) src(%arg10 : memref<30000xf32, #tpu.memory_space<vmem>>) dst(%dma_wait3A_45 : memref<30000xf32, #tpu.memory_space<hbm>>)
    return
  }
}

module attributes {stable_mosaic.version = 14 : i64} {
  func.func @_stats_body(%arg0: i32, %arg1: memref<1024x256xbf16, #tpu.memory_space<vmem>>, %arg2: memref<2048x256xf32, #tpu.memory_space<vmem>>, %arg3: memref<1x2048xf32, #tpu.memory_space<vmem>>, %arg4: memref<256x1xf32, #tpu.memory_space<vmem>>, %arg5: memref<1x1xf32, #tpu.memory_space<vmem>>, %arg6: memref<1x1024xf32, #tpu.memory_space<vmem>>, %arg7: memref<1x1024xf32, #tpu.memory_space<vmem>>, %arg8: memref<1x1024xf32, #tpu.memory_space<vmem>>, %arg9: memref<1x1024xf32, #tpu.memory_space<vmem>>, %arg10: memref<1x1024xf32, #tpu.memory_space<vmem>>) attributes {dimension_semantics = [#tpu.dimension_semantics<arbitrary>], iteration_bounds = array<i64: 15>, scalar_prefetch = 0 : i64, scratch_operands = 2 : i64, tpu.core_type = #tpu.core_type<tc>, window_params = [{pipeline_mode = #tpu.pipeline_mode<synchronous>, transform_indices = @transform_0, window_bounds = array<i64: 1024, 256>}, {transform_indices = @transform_1, window_bounds = array<i64: 2048, 256>}, {transform_indices = @transform_2, window_bounds = array<i64: 1, 2048>}, {pipeline_mode = #tpu.pipeline_mode<synchronous>, transform_indices = @transform_3, window_bounds = array<i64: 256, 1>}, {pipeline_mode = #tpu.pipeline_mode<synchronous>, transform_indices = @transform_4, window_bounds = array<i64: 1, 1>}, {pipeline_mode = #tpu.pipeline_mode<synchronous>, transform_indices = @transform_5, window_bounds = array<i64: 1, 1024>}, {pipeline_mode = #tpu.pipeline_mode<synchronous>, transform_indices = @transform_6, window_bounds = array<i64: 1, 1024>}, {pipeline_mode = #tpu.pipeline_mode<synchronous>, transform_indices = @transform_7, window_bounds = array<i64: 1, 1024>}]} {
    %eq3A = arith.constant 0 : i32
    %eq3A_0 = arith.cmpi eq, %arg0, %eq3A : i32
    %convert_element_type3A = arith.extui %eq3A_0 : i1 to i32
    %cond3A = arith.constant 0 : i32
    %cond3A_1 = arith.cmpi ne, %convert_element_type3A, %cond3A : i32
    scf.if %cond3A_1 {
      %broadcast_in_dim3A_47 = arith.constant -1.000000e+30 : f32
      %broadcast_in_dim3A_48 = vector.broadcast %broadcast_in_dim3A_47 : f32 to vector<1x1024xf32>
      %swap3A_49 = arith.constant 0 : index
      %swap3A_50 = arith.constant 0 : index
      %swap3A_51 = vector.load %arg9[%swap3A_49, %swap3A_50] : memref<1x1024xf32, #tpu.memory_space<vmem>>, vector<1x1024xf32>
      tpu.vector_store %arg9[%swap3A_49, %swap3A_50], %broadcast_in_dim3A_48 {strides = array<i32>} : memref<1x1024xf32, #tpu.memory_space<vmem>>, vector<1x1024xf32>,
      %broadcast_in_dim3A_52 = arith.constant 0.000000e+00 : f32
      %broadcast_in_dim3A_53 = vector.broadcast %broadcast_in_dim3A_52 : f32 to vector<1x1024xf32>
      %swap3A_54 = arith.constant 0 : index
      %swap3A_55 = arith.constant 0 : index
      %swap3A_56 = vector.load %arg10[%swap3A_54, %swap3A_55] : memref<1x1024xf32, #tpu.memory_space<vmem>>, vector<1x1024xf32>
      tpu.vector_store %arg10[%swap3A_54, %swap3A_55], %broadcast_in_dim3A_53 {strides = array<i32>} : memref<1x1024xf32, #tpu.memory_space<vmem>>, vector<1x1024xf32>,
      %get3A_57 = arith.constant 0 : index
      %get3A_58 = arith.constant 0 : index
      %get3A_59 = vector.load %arg4[%get3A_57, %get3A_58] : memref<256x1xf32, #tpu.memory_space<vmem>>, vector<256x1xf32>
      %convert_element_type3A_60 = arith.truncf %get3A_59 : vector<256x1xf32> to vector<256x1xbf16>
      %get3A_61 = arith.constant 0 : index
      %get3A_62 = arith.constant 0 : index
      %get3A_63 = vector.load %arg1[%get3A_61, %get3A_62] : memref<1024x256xbf16, #tpu.memory_space<vmem>>, vector<1024x256xbf16>
      %dot_general3A_64 = arith.constant dense<0.000000e+00> : vector<1x1024xf32>
      %dot_general3A_65 = tpu.matmul %convert_element_type3A_60, %get3A_63, %dot_general3A_64 {dimension_numbers = #tpu.dot_dimension_numbers<[0], [1], [1], [0], [0, 1, 1, 0], [], []>, transpose_lhs_hint = false} : vector<256x1xbf16>, vector<1024x256xbf16>, vector<1x1024xf32> -> vector<1x1024xf32>
      %get3A_66 = arith.constant 0 : index
      %get3A_67 = arith.constant 0 : index
      %get3A_68 = vector.load %arg5[%get3A_66, %get3A_67] : memref<1x1xf32, #tpu.memory_space<vmem>>, vector<1x1xf32>
      %get3A_69 = vector.extract %get3A_68[0, 0] : f32 from vector<1x1xf32>
      %add3A_70 = vector.broadcast %get3A_69 : f32 to vector<1x1024xf32>
      %add3A_71 = arith.addf %dot_general3A_65, %add3A_70 : vector<1x1024xf32>
      %logistic3A = arith.negf %add3A_71 : vector<1x1024xf32>
      %logistic3A_72 = math.exp %logistic3A : vector<1x1024xf32>
      %logistic3A_73 = arith.constant 1.000000e+00 : f32
      %logistic3A_74 = vector.broadcast %logistic3A_73 : f32 to vector<1x1024xf32>
      %logistic3A_75 = arith.addf %logistic3A_74, %logistic3A_72 : vector<1x1024xf32>
      %logistic3A_76 = arith.divf %logistic3A_74, %logistic3A_75 : vector<1x1024xf32>
      %swap3A_77 = arith.constant 0 : index
      %swap3A_78 = arith.constant 0 : index
      %swap3A_79 = vector.load %arg8[%swap3A_77, %swap3A_78] : memref<1x1024xf32, #tpu.memory_space<vmem>>, vector<1x1024xf32>
      tpu.vector_store %arg8[%swap3A_77, %swap3A_78], %logistic3A_76 {strides = array<i32>} : memref<1x1024xf32, #tpu.memory_space<vmem>>, vector<1x1024xf32>,
    } else {
    }
    %get3A = arith.constant 0 : index
    %get3A_2 = arith.constant 0 : index
    %get3A_3 = vector.load %arg2[%get3A, %get3A_2] : memref<2048x256xf32, #tpu.memory_space<vmem>>, vector<2048x256xf32>
    %convert_element_type3A_4 = arith.truncf %get3A_3 : vector<2048x256xf32> to vector<2048x256xbf16>
    %get3A_5 = arith.constant 0 : index
    %get3A_6 = arith.constant 0 : index
    %get3A_7 = vector.load %arg1[%get3A_5, %get3A_6] : memref<1024x256xbf16, #tpu.memory_space<vmem>>, vector<1024x256xbf16>
    %dot_general3A = arith.constant dense<0.000000e+00> : vector<2048x1024xf32>
    %dot_general3A_8 = tpu.matmul %convert_element_type3A_4, %get3A_7, %dot_general3A {dimension_numbers = #tpu.dot_dimension_numbers<[1], [1], [0], [0], [0, 0, 1, 0], [], []>, transpose_lhs_hint = false} : vector<2048x256xbf16>, vector<1024x256xbf16>, vector<2048x1024xf32> -> vector<2048x1024xf32>
    %get3A_9 = arith.constant 0 : index
    %get3A_10 = arith.constant 0 : index
    %get3A_11 = vector.load %arg3[%get3A_9, %get3A_10] : memref<1x2048xf32, #tpu.memory_space<vmem>>, vector<1x2048xf32>
    %squeeze3A = vector.shape_cast %get3A_11 : vector<1x2048xf32> to vector<2048xf32>
    %broadcast_in_dim3A = vector.shape_cast %squeeze3A : vector<2048xf32> to vector<2048x1xf32>
    %add3A = vector.broadcast %broadcast_in_dim3A : vector<2048x1xf32> to vector<2048x1024xf32>
    %add3A_12 = arith.addf %dot_general3A_8, %add3A : vector<2048x1024xf32>
    %iota3A = tpu.iota {dimensions = array<i32: 0>} : vector<2048x1024xi32>
    %mul3A = arith.constant 2048 : i32
    %mul3A_13 = arith.muli %arg0, %mul3A : i32
    %add3A_14 = vector.broadcast %mul3A_13 : i32 to vector<2048x1024xi32>
    %add3A_15 = arith.addi %iota3A, %add3A_14 : vector<2048x1024xi32>
    %lt3A = arith.constant 30000 : i32
    %lt3A_16 = vector.broadcast %lt3A : i32 to vector<2048x1024xi32>
    %lt3A_17 = arith.cmpi slt, %add3A_15, %lt3A_16 : vector<2048x1024xi32>
    %jit3A = arith.constant -1.000000e+30 : f32
    %broadcast_in_dim3A_18 = vector.broadcast %jit3A : f32 to vector<2048x1024xf32>
    %select_n3A = arith.select %lt3A_17, %add3A_12, %broadcast_in_dim3A_18 : vector<2048x1024xi1>, vector<2048x1024xf32>
    %reduce_max3A = arith.constant dense<0xFF800000> : vector<1024xf32>
    %reduce_max3A_19 = vector.multi_reduction <maximumf>, %select_n3A, %reduce_max3A [0] : vector<2048x1024xf32> to vector<1024xf32>
    %broadcast_in_dim3A_20 = vector.shape_cast %reduce_max3A_19 : vector<1024xf32> to vector<1x1024xf32>
    %get3A_21 = arith.constant 0 : index
    %get3A_22 = arith.constant 0 : index
    %get3A_23 = vector.load %arg9[%get3A_21, %get3A_22] : memref<1x1024xf32, #tpu.memory_space<vmem>>, vector<1x1024xf32>
    %max3A = arith.maximumf %get3A_23, %broadcast_in_dim3A_20 : vector<1x1024xf32>
    %get3A_24 = arith.constant 0 : index
    %get3A_25 = arith.constant 0 : index
    %get3A_26 = vector.load %arg10[%get3A_24, %get3A_25] : memref<1x1024xf32, #tpu.memory_space<vmem>>, vector<1x1024xf32>
    %get3A_27 = arith.constant 0 : index
    %get3A_28 = arith.constant 0 : index
    %get3A_29 = vector.load %arg9[%get3A_27, %get3A_28] : memref<1x1024xf32, #tpu.memory_space<vmem>>, vector<1x1024xf32>
    %sub3A = arith.subf %get3A_29, %max3A : vector<1x1024xf32>
    %exp3A = math.exp %sub3A : vector<1x1024xf32>
    %mul3A_30 = arith.mulf %get3A_26, %exp3A : vector<1x1024xf32>
    %sub3A_31 = vector.broadcast %max3A : vector<1x1024xf32> to vector<2048x1024xf32>
    %sub3A_32 = arith.subf %select_n3A, %sub3A_31 : vector<2048x1024xf32>
    %exp3A_33 = math.exp %sub3A_32 : vector<2048x1024xf32>
    %reduce_sum3A = arith.constant dense<0.000000e+00> : vector<1024xf32>
    %reduce_sum3A_34 = vector.multi_reduction <add>, %exp3A_33, %reduce_sum3A [0] : vector<2048x1024xf32> to vector<1024xf32>
    %broadcast_in_dim3A_35 = vector.shape_cast %reduce_sum3A_34 : vector<1024xf32> to vector<1x1024xf32>
    %add3A_36 = arith.addf %mul3A_30, %broadcast_in_dim3A_35 : vector<1x1024xf32>
    %swap3A = arith.constant 0 : index
    %swap3A_37 = arith.constant 0 : index
    %swap3A_38 = vector.load %arg10[%swap3A, %swap3A_37] : memref<1x1024xf32, #tpu.memory_space<vmem>>, vector<1x1024xf32>
    tpu.vector_store %arg10[%swap3A, %swap3A_37], %add3A_36 {strides = array<i32>} : memref<1x1024xf32, #tpu.memory_space<vmem>>, vector<1x1024xf32>,
    %swap3A_39 = arith.constant 0 : index
    %swap3A_40 = arith.constant 0 : index
    %swap3A_41 = vector.load %arg9[%swap3A_39, %swap3A_40] : memref<1x1024xf32, #tpu.memory_space<vmem>>, vector<1x1024xf32>
    tpu.vector_store %arg9[%swap3A_39, %swap3A_40], %max3A {strides = array<i32>} : memref<1x1024xf32, #tpu.memory_space<vmem>>, vector<1x1024xf32>,
    %eq3A_42 = arith.constant 14 : i32
    %eq3A_43 = arith.cmpi eq, %arg0, %eq3A_42 : i32
    %convert_element_type3A_44 = arith.extui %eq3A_43 : i1 to i32
    %cond3A_45 = arith.constant 0 : i32
    %cond3A_46 = arith.cmpi ne, %convert_element_type3A_44, %cond3A_45 : i32
    scf.if %cond3A_46 {
      %get3A_47 = arith.constant 0 : index
      %get3A_48 = arith.constant 0 : index
      %get3A_49 = vector.load %arg9[%get3A_47, %get3A_48] : memref<1x1024xf32, #tpu.memory_space<vmem>>, vector<1x1024xf32>
      %swap3A_50 = arith.constant 0 : index
      %swap3A_51 = arith.constant 0 : index
      %swap3A_52 = vector.load %arg6[%swap3A_50, %swap3A_51] : memref<1x1024xf32, #tpu.memory_space<vmem>>, vector<1x1024xf32>
      tpu.vector_store %arg6[%swap3A_50, %swap3A_51], %get3A_49 {strides = array<i32>} : memref<1x1024xf32, #tpu.memory_space<vmem>>, vector<1x1024xf32>,
      %get3A_53 = arith.constant 0 : index
      %get3A_54 = arith.constant 0 : index
      %get3A_55 = vector.load %arg10[%get3A_53, %get3A_54] : memref<1x1024xf32, #tpu.memory_space<vmem>>, vector<1x1024xf32>
      %swap3A_56 = arith.constant 0 : index
      %swap3A_57 = arith.constant 0 : index
      %swap3A_58 = vector.load %arg7[%swap3A_56, %swap3A_57] : memref<1x1024xf32, #tpu.memory_space<vmem>>, vector<1x1024xf32>
      tpu.vector_store %arg7[%swap3A_56, %swap3A_57], %get3A_55 {strides = array<i32>} : memref<1x1024xf32, #tpu.memory_space<vmem>>, vector<1x1024xf32>,
    } else {
    }
    return
  }
  func.func @transform_0(%arg0: i32) -> (i32, i32) {
    %c0_i32 = arith.constant 0 : i32
    %c0_i32_0 = arith.constant 0 : i32
    %c0_i32_1 = arith.constant 0 : i32
    return %c0_i32, %c0_i32_0 : i32, i32
  }
  func.func @transform_1(%arg0: i32) -> (i32, i32) {
    %c0_i32 = arith.constant 0 : i32
    %c0_i32_0 = arith.constant 0 : i32
    return %arg0, %c0_i32 : i32, i32
  }
  func.func @transform_2(%arg0: i32) -> (i32, i32) {
    %c0_i32 = arith.constant 0 : i32
    %c0_i32_0 = arith.constant 0 : i32
    return %c0_i32, %arg0 : i32, i32
  }
  func.func @transform_3(%arg0: i32) -> (i32, i32) {
    %c0_i32 = arith.constant 0 : i32
    %c0_i32_0 = arith.constant 0 : i32
    %c0_i32_1 = arith.constant 0 : i32
    return %c0_i32, %c0_i32_0 : i32, i32
  }
  func.func @transform_4(%arg0: i32) -> (i32, i32) {
    %c0_i32 = arith.constant 0 : i32
    %c0_i32_0 = arith.constant 0 : i32
    %c0_i32_1 = arith.constant 0 : i32
    return %c0_i32, %c0_i32_0 : i32, i32
  }
  func.func @transform_5(%arg0: i32) -> (i32, i32) {
    %c0_i32 = arith.constant 0 : i32
    %c0_i32_0 = arith.constant 0 : i32
    %c0_i32_1 = arith.constant 0 : i32
    return %c0_i32, %c0_i32_0 : i32, i32
  }
  func.func @transform_6(%arg0: i32) -> (i32, i32) {
    %c0_i32 = arith.constant 0 : i32
    %c0_i32_0 = arith.constant 0 : i32
    %c0_i32_1 = arith.constant 0 : i32
    return %c0_i32, %c0_i32_0 : i32, i32
  }
  func.func @transform_7(%arg0: i32) -> (i32, i32) {
    %c0_i32 = arith.constant 0 : i32
    %c0_i32_0 = arith.constant 0 : i32
    %c0_i32_1 = arith.constant 0 : i32
    return %c0_i32, %c0_i32_0 : i32, i32
  }
}

module attributes {stable_mosaic.version = 14 : i64} {
  func.func @_emit_body(%arg0: i32, %arg1: memref<512x256xbf16, #tpu.memory_space<vmem>>, %arg2: memref<2048x256xf32, #tpu.memory_space<vmem>>, %arg3: memref<1x2048xf32, #tpu.memory_space<vmem>>, %arg4: memref<1x512xf32, #tpu.memory_space<vmem>>, %arg5: memref<1x512xf32, #tpu.memory_space<vmem>>, %arg6: memref<1x512xf32, #tpu.memory_space<vmem>>, %arg7: memref<512x2048xf32, #tpu.memory_space<vmem>>, %arg8: memref<2048x512xf32, #tpu.memory_space<vmem>>) attributes {dimension_semantics = [#tpu.dimension_semantics<arbitrary>], iteration_bounds = array<i64: 15>, scalar_prefetch = 0 : i64, scratch_operands = 0 : i64, tpu.core_type = #tpu.core_type<tc>, window_params = [{transform_indices = @transform_0, window_bounds = array<i64: 512, 256>}, {transform_indices = @transform_1, window_bounds = array<i64: 2048, 256>}, {transform_indices = @transform_2, window_bounds = array<i64: 1, 2048>}, {transform_indices = @transform_3, window_bounds = array<i64: 1, 512>}, {transform_indices = @transform_4, window_bounds = array<i64: 1, 512>}, {transform_indices = @transform_5, window_bounds = array<i64: 1, 512>}, {transform_indices = @transform_6, window_bounds = array<i64: 512, 2048>}, {transform_indices = @transform_7, window_bounds = array<i64: 2048, 512>}]} {
    %get3A = arith.constant 0 : index
    %get3A_0 = arith.constant 0 : index
    %get3A_1 = vector.load %arg2[%get3A, %get3A_0] : memref<2048x256xf32, #tpu.memory_space<vmem>>, vector<2048x256xf32>
    %convert_element_type3A = arith.truncf %get3A_1 : vector<2048x256xf32> to vector<2048x256xbf16>
    %get3A_2 = arith.constant 0 : index
    %get3A_3 = arith.constant 0 : index
    %get3A_4 = vector.load %arg1[%get3A_2, %get3A_3] : memref<512x256xbf16, #tpu.memory_space<vmem>>, vector<512x256xbf16>
    %dot_general3A = arith.constant dense<0.000000e+00> : vector<2048x512xf32>
    %dot_general3A_5 = tpu.matmul %convert_element_type3A, %get3A_4, %dot_general3A {dimension_numbers = #tpu.dot_dimension_numbers<[1], [1], [0], [0], [0, 0, 1, 0], [], []>, transpose_lhs_hint = false} : vector<2048x256xbf16>, vector<512x256xbf16>, vector<2048x512xf32> -> vector<2048x512xf32>
    %get3A_6 = arith.constant 0 : index
    %get3A_7 = arith.constant 0 : index
    %get3A_8 = vector.load %arg3[%get3A_6, %get3A_7] : memref<1x2048xf32, #tpu.memory_space<vmem>>, vector<1x2048xf32>
    %squeeze3A = vector.shape_cast %get3A_8 : vector<1x2048xf32> to vector<2048xf32>
    %broadcast_in_dim3A = vector.shape_cast %squeeze3A : vector<2048xf32> to vector<2048x1xf32>
    %add3A = vector.broadcast %broadcast_in_dim3A : vector<2048x1xf32> to vector<2048x512xf32>
    %add3A_9 = arith.addf %dot_general3A_5, %add3A : vector<2048x512xf32>
    %get3A_10 = arith.constant 0 : index
    %get3A_11 = arith.constant 0 : index
    %get3A_12 = vector.load %arg4[%get3A_10, %get3A_11] : memref<1x512xf32, #tpu.memory_space<vmem>>, vector<1x512xf32>
    %sub3A = vector.broadcast %get3A_12 : vector<1x512xf32> to vector<2048x512xf32>
    %sub3A_13 = arith.subf %add3A_9, %sub3A : vector<2048x512xf32>
    %exp3A = math.exp %sub3A_13 : vector<2048x512xf32>
    %get3A_14 = arith.constant 0 : index
    %get3A_15 = arith.constant 0 : index
    %get3A_16 = vector.load %arg6[%get3A_14, %get3A_15] : memref<1x512xf32, #tpu.memory_space<vmem>>, vector<1x512xf32>
    %get3A_17 = arith.constant 0 : index
    %get3A_18 = arith.constant 0 : index
    %get3A_19 = vector.load %arg7[%get3A_17, %get3A_18] : memref<512x2048xf32, #tpu.memory_space<vmem>>, vector<512x2048xf32>
    %transpose3A = tpu.transpose %get3A_19, [1, 0] : vector<512x2048xf32> -> vector<2048x512xf32>
    %get3A_20 = arith.constant 0 : index
    %get3A_21 = arith.constant 0 : index
    %get3A_22 = vector.load %arg5[%get3A_20, %get3A_21] : memref<1x512xf32, #tpu.memory_space<vmem>>, vector<1x512xf32>
    %div3A = arith.divf %get3A_16, %get3A_22 : vector<1x512xf32>
    %mul3A = vector.broadcast %div3A : vector<1x512xf32> to vector<2048x512xf32>
    %mul3A_23 = arith.mulf %mul3A, %exp3A : vector<2048x512xf32>
    %sub3A_24 = arith.constant 1.000000e+00 : f32
    %sub3A_25 = vector.broadcast %sub3A_24 : f32 to vector<1x512xf32>
    %sub3A_26 = arith.subf %sub3A_25, %get3A_16 : vector<1x512xf32>
    %mul3A_27 = vector.broadcast %sub3A_26 : vector<1x512xf32> to vector<2048x512xf32>
    %mul3A_28 = arith.mulf %mul3A_27, %transpose3A : vector<2048x512xf32>
    %add3A_29 = arith.addf %mul3A_23, %mul3A_28 : vector<2048x512xf32>
    %log3A = math.log %add3A_29 : vector<2048x512xf32>
    %swap3A = arith.constant 0 : index
    %swap3A_30 = arith.constant 0 : index
    %swap3A_31 = vector.load %arg8[%swap3A, %swap3A_30] : memref<2048x512xf32, #tpu.memory_space<vmem>>, vector<2048x512xf32>
    tpu.vector_store %arg8[%swap3A, %swap3A_30], %log3A {strides = array<i32>} : memref<2048x512xf32, #tpu.memory_space<vmem>>, vector<2048x512xf32>,
    return
  }
  func.func @transform_0(%arg0: i32) -> (i32, i32) {
    %c0_i32 = arith.constant 0 : i32
    %c0_i32_0 = arith.constant 0 : i32
    %c0_i32_1 = arith.constant 0 : i32
    return %c0_i32, %c0_i32_0 : i32, i32
  }
  func.func @transform_1(%arg0: i32) -> (i32, i32) {
    %c0_i32 = arith.constant 0 : i32
    %c0_i32_0 = arith.constant 0 : i32
    return %arg0, %c0_i32 : i32, i32
  }
  func.func @transform_2(%arg0: i32) -> (i32, i32) {
    %c0_i32 = arith.constant 0 : i32
    %c0_i32_0 = arith.constant 0 : i32
    return %c0_i32, %arg0 : i32, i32
  }
  func.func @transform_3(%arg0: i32) -> (i32, i32) {
    %c0_i32 = arith.constant 0 : i32
    %c0_i32_0 = arith.constant 0 : i32
    %c0_i32_1 = arith.constant 0 : i32
    return %c0_i32, %c0_i32_0 : i32, i32
  }
  func.func @transform_4(%arg0: i32) -> (i32, i32) {
    %c0_i32 = arith.constant 0 : i32
    %c0_i32_0 = arith.constant 0 : i32
    %c0_i32_1 = arith.constant 0 : i32
    return %c0_i32, %c0_i32_0 : i32, i32
  }
  func.func @transform_5(%arg0: i32) -> (i32, i32) {
    %c0_i32 = arith.constant 0 : i32
    %c0_i32_0 = arith.constant 0 : i32
    %c0_i32_1 = arith.constant 0 : i32
    return %c0_i32, %c0_i32_0 : i32, i32
  }
  func.func @transform_6(%arg0: i32) -> (i32, i32) {
    %c0_i32 = arith.constant 0 : i32
    %c0_i32_0 = arith.constant 0 : i32
    return %c0_i32, %arg0 : i32, i32
  }
  func.func @transform_7(%arg0: i32) -> (i32, i32) {
    %c0_i32 = arith.constant 0 : i32
    %c0_i32_0 = arith.constant 0 : i32
    return %arg0, %c0_i32 : i32, i32
  }
}

module attributes {stable_mosaic.version = 14 : i64} {
  func.func @_emit_alias_body(%arg0: i32, %arg1: memref<30000x1024xf32, #tpu.memory_space<any>>, %arg2: memref<512x256xbf16, #tpu.memory_space<vmem>>, %arg3: memref<2048x256xf32, #tpu.memory_space<vmem>>, %arg4: memref<1x2048xf32, #tpu.memory_space<vmem>>, %arg5: memref<1x512xf32, #tpu.memory_space<vmem>>, %arg6: memref<1x512xf32, #tpu.memory_space<vmem>>, %arg7: memref<1x512xf32, #tpu.memory_space<vmem>>, %arg8: memref<512x2048xf32, #tpu.memory_space<vmem>>, %arg9: memref<2048x512xf32, #tpu.memory_space<vmem>>) attributes {dimension_semantics = [#tpu.dimension_semantics<arbitrary>], iteration_bounds = array<i64: 15>, scalar_prefetch = 0 : i64, scratch_operands = 0 : i64, tpu.core_type = #tpu.core_type<tc>, window_params = [{}, {transform_indices = @transform_1, window_bounds = array<i64: 512, 256>}, {transform_indices = @transform_2, window_bounds = array<i64: 2048, 256>}, {transform_indices = @transform_3, window_bounds = array<i64: 1, 2048>}, {transform_indices = @transform_4, window_bounds = array<i64: 1, 512>}, {transform_indices = @transform_5, window_bounds = array<i64: 1, 512>}, {transform_indices = @transform_6, window_bounds = array<i64: 1, 512>}, {transform_indices = @transform_7, window_bounds = array<i64: 512, 2048>}, {transform_indices = @transform_8, window_bounds = array<i64: 2048, 512>}]} {
    %get3A = arith.constant 0 : index
    %get3A_0 = arith.constant 0 : index
    %get3A_1 = vector.load %arg3[%get3A, %get3A_0] : memref<2048x256xf32, #tpu.memory_space<vmem>>, vector<2048x256xf32>
    %convert_element_type3A = arith.truncf %get3A_1 : vector<2048x256xf32> to vector<2048x256xbf16>
    %get3A_2 = arith.constant 0 : index
    %get3A_3 = arith.constant 0 : index
    %get3A_4 = vector.load %arg2[%get3A_2, %get3A_3] : memref<512x256xbf16, #tpu.memory_space<vmem>>, vector<512x256xbf16>
    %dot_general3A = arith.constant dense<0.000000e+00> : vector<2048x512xf32>
    %dot_general3A_5 = tpu.matmul %convert_element_type3A, %get3A_4, %dot_general3A {dimension_numbers = #tpu.dot_dimension_numbers<[1], [1], [0], [0], [0, 0, 1, 0], [], []>, transpose_lhs_hint = false} : vector<2048x256xbf16>, vector<512x256xbf16>, vector<2048x512xf32> -> vector<2048x512xf32>
    %get3A_6 = arith.constant 0 : index
    %get3A_7 = arith.constant 0 : index
    %get3A_8 = vector.load %arg4[%get3A_6, %get3A_7] : memref<1x2048xf32, #tpu.memory_space<vmem>>, vector<1x2048xf32>
    %squeeze3A = vector.shape_cast %get3A_8 : vector<1x2048xf32> to vector<2048xf32>
    %broadcast_in_dim3A = vector.shape_cast %squeeze3A : vector<2048xf32> to vector<2048x1xf32>
    %add3A = vector.broadcast %broadcast_in_dim3A : vector<2048x1xf32> to vector<2048x512xf32>
    %add3A_9 = arith.addf %dot_general3A_5, %add3A : vector<2048x512xf32>
    %get3A_10 = arith.constant 0 : index
    %get3A_11 = arith.constant 0 : index
    %get3A_12 = vector.load %arg5[%get3A_10, %get3A_11] : memref<1x512xf32, #tpu.memory_space<vmem>>, vector<1x512xf32>
    %sub3A = vector.broadcast %get3A_12 : vector<1x512xf32> to vector<2048x512xf32>
    %sub3A_13 = arith.subf %add3A_9, %sub3A : vector<2048x512xf32>
    %exp3A = math.exp %sub3A_13 : vector<2048x512xf32>
    %get3A_14 = arith.constant 0 : index
    %get3A_15 = arith.constant 0 : index
    %get3A_16 = vector.load %arg7[%get3A_14, %get3A_15] : memref<1x512xf32, #tpu.memory_space<vmem>>, vector<1x512xf32>
    %get3A_17 = arith.constant 0 : index
    %get3A_18 = arith.constant 0 : index
    %get3A_19 = vector.load %arg8[%get3A_17, %get3A_18] : memref<512x2048xf32, #tpu.memory_space<vmem>>, vector<512x2048xf32>
    %transpose3A = tpu.transpose %get3A_19, [1, 0] : vector<512x2048xf32> -> vector<2048x512xf32>
    %get3A_20 = arith.constant 0 : index
    %get3A_21 = arith.constant 0 : index
    %get3A_22 = vector.load %arg6[%get3A_20, %get3A_21] : memref<1x512xf32, #tpu.memory_space<vmem>>, vector<1x512xf32>
    %div3A = arith.divf %get3A_16, %get3A_22 : vector<1x512xf32>
    %mul3A = vector.broadcast %div3A : vector<1x512xf32> to vector<2048x512xf32>
    %mul3A_23 = arith.mulf %mul3A, %exp3A : vector<2048x512xf32>
    %sub3A_24 = arith.constant 1.000000e+00 : f32
    %sub3A_25 = vector.broadcast %sub3A_24 : f32 to vector<1x512xf32>
    %sub3A_26 = arith.subf %sub3A_25, %get3A_16 : vector<1x512xf32>
    %mul3A_27 = vector.broadcast %sub3A_26 : vector<1x512xf32> to vector<2048x512xf32>
    %mul3A_28 = arith.mulf %mul3A_27, %transpose3A : vector<2048x512xf32>
    %add3A_29 = arith.addf %mul3A_23, %mul3A_28 : vector<2048x512xf32>
    %log3A = math.log %add3A_29 : vector<2048x512xf32>
    %swap3A = arith.constant 0 : index
    %swap3A_30 = arith.constant 0 : index
    %swap3A_31 = vector.load %arg9[%swap3A, %swap3A_30] : memref<2048x512xf32, #tpu.memory_space<vmem>>, vector<2048x512xf32>
    tpu.vector_store %arg9[%swap3A, %swap3A_30], %log3A {strides = array<i32>} : memref<2048x512xf32, #tpu.memory_space<vmem>>, vector<2048x512xf32>,
    return
  }
  func.func @transform_1(%arg0: i32) -> (i32, i32) {
    %c1_i32 = arith.constant 1 : i32
    %c0_i32 = arith.constant 0 : i32
    %c0_i32_0 = arith.constant 0 : i32
    return %c1_i32, %c0_i32 : i32, i32
  }
  func.func @transform_2(%arg0: i32) -> (i32, i32) {
    %c0_i32 = arith.constant 0 : i32
    %c0_i32_0 = arith.constant 0 : i32
    return %arg0, %c0_i32 : i32, i32
  }
  func.func @transform_3(%arg0: i32) -> (i32, i32) {
    %c0_i32 = arith.constant 0 : i32
    %c0_i32_0 = arith.constant 0 : i32
    return %c0_i32, %arg0 : i32, i32
  }
  func.func @transform_4(%arg0: i32) -> (i32, i32) {
    %c0_i32 = arith.constant 0 : i32
    %c1_i32 = arith.constant 1 : i32
    %c0_i32_0 = arith.constant 0 : i32
    return %c0_i32, %c1_i32 : i32, i32
  }
  func.func @transform_5(%arg0: i32) -> (i32, i32) {
    %c0_i32 = arith.constant 0 : i32
    %c1_i32 = arith.constant 1 : i32
    %c0_i32_0 = arith.constant 0 : i32
    return %c0_i32, %c1_i32 : i32, i32
  }
  func.func @transform_6(%arg0: i32) -> (i32, i32) {
    %c0_i32 = arith.constant 0 : i32
    %c1_i32 = arith.constant 1 : i32
    %c0_i32_0 = arith.constant 0 : i32
    return %c0_i32, %c1_i32 : i32, i32
  }
  func.func @transform_7(%arg0: i32) -> (i32, i32) {
    %c0_i32 = arith.constant 0 : i32
    %c0_i32_0 = arith.constant 0 : i32
    return %c0_i32, %arg0 : i32, i32
  }
  func.func @transform_8(%arg0: i32) -> (i32, i32) {
    %c1_i32 = arith.constant 1 : i32
    %c0_i32 = arith.constant 0 : i32
    return %arg0, %c1_i32 : i32, i32
  }
}

</mosaic_0001>

<sc_bundles>
// kernel: kernel.11.cloned.1.call-start
scs
__scs_entry_jumppad:
0x0: {  	(pc) =	sbr.rel $0x88, $3  }
0x1: {  	(tag) =	ssettag $0x0;
	lr =	simm.s32 $0x1  }
0x2: {  	[smem:$0x3F98] =	sst lr;
	_ =	strace $0xD0000000  }
0x3: {  	_ = 	snop  }
0x4: {  	_ = 	snop  }
0x5: {  	_ = 	snop  }
0x6: {  	_ = 	snop  }
0x7: {  	_ = 	snop  }
__scs_overlays_trampoline_lowered:
0x8: {  	[smem:$0x3FA7] =	sst s0  }
0x9: {  	[smem:$0x3FA8] =	sst s1  }
0xa: {  	[smem:$0x3FA9] =	sst s2  }
0xb: {  	[smem:$0x3FAA] =	sst s3  }
0xc: {  	[smem:$0x3FAB] =	sst s4  }
0xd: {  	[smem:$0x3FAC] =	sst s5  }
0xe: {  	[smem:$0x3FAD] =	sst s6  }
0xf: {  	[smem:$0x3FAE] =	sst s7  }
0x10: {  	[smem:$0x3FAF] =	sst s8  }
0x11: {  	[smem:$0x3FB0] =	sst s9;
	s0 =	simm.s32 @!p0 $0x0  }
0x12: {  	s1 =	sld [smem:$0x3F96];
	s0 =	simm.s32 @p0 $0x1  }
0x13: {  	[smem:$0x3FB1] =	sst s0;
	s0 =	simm.s32 @!p1 $0x0  }
0x14: {  	s2 =	sld [smem:$0x3F95];
	s0 =	simm.s32 @p1 $0x1  }
0x15: {  	[smem:$0x3FB2] =	sst s0;
	s0 =	simm.s32 @!p2 $0x0  }
0x16: {  	s3 =	sld [smem:$0x3FDB];
	s0 =	simm.s32 @p2 $0x1  }
0x17: {  	s4 =	simm.s32 $0x1BF5;
	[smem:$0x3FB4] =	sst s0  }
0x18: {  	s0 =	sld [smem:$0x3F97];
	_ =	swait.ge [sflag:s4], $0x0  }
0x19: {  	s7 =	sld [smem:$0x3F98]  }
0x1a: {  	s8 =	sadd.s32 $0xFFFFE003, lr  }
0x1b: {  	s9 =	sadd.s32 $0xFFFFFEF7, lr;
	s5 =	simm.s32 $0xFFFFFFFF;
	p2 =	slt.u32 s8, $0xFFFFF086  }
0x1c: {  	p1 =	slt.u32 s9, $0xF7A;
	s5 =	simm.s32 @!p2 $0x0  }
0x1d: {  	s5 =	simm.s32 @p1 $0x1;
	p0 =	seq.s32 s7, s2  }
0x1e: {  	s7 =	smul.u32 @!p0 $0xF7A, s2;
	p2 =	seq.s32 @!p0 s5, $0x0  }
0x1f: {  	s9 =	smul.u32 $0xF7A, s1;
	s8 =	simm.s32 @!p0 $0x1BF5;
	p2 =	por !p2, p0  }
0x20: {  	[sflag:s8] =	ssyncset.s32 @!p0 $0xFFFFF086;
	s6 =	sadd.s32 @!p0 s3, s7;
	s7 =	simm.s32 @!p0 $0x108  }
0x21: {  	s3 =	sadd.s32 s3, s9;
	s6 =	sadd.s32 @!p0 $0x88, s6;
	s7 =	simm.s32 @p2 $0x1082  }
0x22: {  	[simem:s7], [sflag:s8] =	dma.local @!p0 [hbm:s6], $0xF7A  }
0x23: {  	s9 =	sor.u32 $0xD0000000, s2;
	s6 =	simm.s32 $0x108;
	_ =	swait.ge @!p0 [sflag:s8], $0x0  }
0x24: {  	s3 =	sadd.s32 $0x88, s3;
	s6 =	simm.s32 @!p1 $0x1082;
	[sflag:s4] =	ssyncset.s32 $0xFFFFF086  }
0x25: {  	[simem:s6], [sflag:s4] =	dma.local [hbm:s3], $0xF7A  }
0x26: {  	[smem:$0x3F98] =	sst s1;
	(tag) =	ssettag s2;
	_ =	strace s9  }
0x27: {  	s1 =	sld [smem:$0x3FA8]  }
0x28: {  	s2 =	sld [smem:$0x3FA9]  }
0x29: {  	s4 =	sld [smem:$0x3FAB]  }
0x2a: {  	p0 =	seq.s32 s5, $0x0;
	s5 =	sld [smem:$0x3FAC]  }
0x2b: {  	s6 =	sld [smem:$0x3FAD]  }
0x2c: {  	s7 =	sld [smem:$0x3FAE]  }
0x2d: {  	s3 =	simm.s32 $0x108;
	s8 =	sld [smem:$0x3FAF]  }
0x2e: {  	s3 =	simm.s32 @!p0 $0x1082;
	s9 =	sld [smem:$0x3FB0]  }
0x2f: {  	lr =	sadd.s32 s0, s3;
	s0 =	sld [smem:$0x3FA7]  }
0x30: {  	s3 =	sld [smem:$0x3FAA]  }
0x31: {  	[smem:$0x3FB3] =	sst s10  }
0x32: {  	s10 =	sld [smem:$0x3FB1];
	_ =	sdelay $0x3  }
0x33: {  	p0 =	seq.s32 s10, $0x1;
	s10 =	sld [smem:$0x3FB3];
	_ =	sdelay $0x3  }
0x34: {  	[smem:$0x3FB3] =	sst s10  }
0x35: {  	s10 =	sld [smem:$0x3FB2];
	_ =	sdelay $0x3  }
0x36: {  	p1 =	seq.s32 s10, $0x1;
	s10 =	sld [smem:$0x3FB3];
	_ =	sdelay $0x3  }
0x37: {  	[smem:$0x3FB3] =	sst s10  }
0x38: {  	s10 =	sld [smem:$0x3FB4]  }
0x39: {  	_ = 	snop;
	(pc) =	sbr.ind lr, $3  }
0x3a: {  	_ = 	snop  }
0x3b: {  	_ = 	snop  }
0x3c: {  	p2 =	seq.s32 s10, $0x1;
	s10 =	sld [smem:$0x3FB3]  }
0x3d: {  	_ =	shalt  }
0x3e: {  	_ =	shalt  }
0x3f: {  	_ =	shalt  }
0x40: {  	_ =	shalt  }
0x41: {  	_ =	shalt  }
0x42: {  	_ =	shalt  }
0x43: {  	_ =	shalt  }
0x44: {  	_ =	shalt  }
0x45: {  	_ =	shalt  }
0x46: {  	_ =	shalt  }
0x47: {  	_ =	shalt  }
0x48: {  	_ =	shalt  }
0x49: {  	_ =	shalt  }
0x4a: {  	_ =	shalt  }
0x4b: {  	_ =	shalt  }
0x4c: {  	_ =	shalt  }
0x4d: {  	_ =	shalt  }
0x4e: {  	_ =	shalt  }
0x4f: {  	_ =	shalt  }
0x50: {  	_ =	shalt  }
0x51: {  	_ =	shalt  }
0x52: {  	_ =	shalt  }
0x53: {  	_ =	shalt  }
0x54: {  	_ =	shalt  }
0x55: {  	_ =	shalt  }
0x56: {  	_ =	shalt  }
0x57: {  	_ =	shalt  }
0x58: {  	_ =	shalt  }
0x59: {  	_ =	shalt  }
0x5a: {  	_ =	shalt  }
0x5b: {  	_ =	shalt  }
0x5c: {  	_ =	shalt  }
0x5d: {  	_ =	shalt  }
0x5e: {  	_ =	shalt  }
0x5f: {  	_ =	shalt  }
0x60: {  	_ =	shalt  }
0x61: {  	_ =	shalt  }
0x62: {  	_ =	shalt  }
0x63: {  	_ =	shalt  }
0x64: {  	_ =	shalt  }
0x65: {  	_ =	shalt  }
0x66: {  	_ =	shalt  }
0x67: {  	_ =	shalt  }
0x68: {  	_ =	shalt  }
0x69: {  	_ =	shalt  }
0x6a: {  	_ =	shalt  }
0x6b: {  	_ =	shalt  }
0x6c: {  	_ =	shalt  }
0x6d: {  	_ =	shalt  }
0x6e: {  	_ =	shalt  }
0x6f: {  	_ =	shalt  }
0x70: {  	_ =	shalt  }
0x71: {  	_ =	shalt  }
0x72: {  	_ =	shalt  }
0x73: {  	_ =	shalt  }
0x74: {  	_ =	shalt  }
0x75: {  	_ =	shalt  }
0x76: {  	_ =	shalt  }
0x77: {  	_ =	shalt  }
0x78: {  	_ =	shalt  }
0x79: {  	_ =	shalt  }
0x7a: {  	_ =	shalt  }
0x7b: {  	_ =	shalt  }
0x7c: {  	_ =	shalt  }
0x7d: {  	_ =	shalt  }
0x7e: {  	_ =	shalt  }
0x7f: {  	_ =	shalt  }
0x80: {  	_ =	shalt  }
0x81: {  	_ =	shalt  }
0x82: {  	_ =	shalt  }
0x83: {  	_ =	shalt  }
0x84: {  	_ =	shalt  }
0x85: {  	_ =	shalt  }
0x86: {  	_ =	shalt  }
0x87: {  	_ =	shalt  }
.Lfunc_end0:
.L_simem_size_0:
called_computation.1_lowered:
.L_overlay_start_0:
0x88: {  	s2 =	sld [smem:$0x3FD9]  }
0x89: {  	s3 =	sld [smem:$0x3FFE];
	_ =	sdelay $0x1  }
0x8a: {  	s1 =	srdreg.scid  }
0x8b: {  	s0 =	sand.u32 $0x1, s1  }
0x8c: {  	s17 =	sshll.u32 s0, $0xA;
	s2 =	sadd.s32 s3, s2  }
0x8d: {  	s2 =	sadd.s32 s2, s17  }
0x8e: {  	[smem:$0x3FBF] =	sst s2  }
0x8f: {  	_ = 	snop  }
0x90: {  	s18 =	sld [smem:$0x3FC1];
	(tm) =	ssettm $0x1  }
0x91: {  	s19 =	sld [smem:$0x3FFB];
	_ =	sdelay $0x3  }
0x92: {  	_ =	strace s19  }
0x93: {  	s2 =	sld [smem:$0x3FFC];
	_ =	sdelay $0x3  }
0x94: {  	_ =	strace s2  }
0x95: {  	s2 =	sld [smem:$0x3FFD];
	_ =	sdelay $0x3  }
0x96: {  	_ =	strace s2  }
0x97: {  	_ =	strace $0x8FFFFFFF  }
0x98: {  	s20 =	sld [smem:$0x3FDB];
	_ =	sdelay $0x1  }
0x99: {  	s4 =	simm.s32 $_scs_section_size  }
0x9a: {  	s5 =	simm.s32 $_size__tile_overlayer_lowered;
	s6 =	simm.s32 $_tile_overlayer_lowered  }
0x9b: {  	s7 =	simm.s32 $0x1BFF;
	s21 =	sshll.u32 s6, $0x1;
	s4 =	sadd.s32 s4, s20  }
0x9c: {  	s22 =	simm.s32 $0x0;
	s5 =	sshll.u32 s5, $0x1;
	s6 =	sadd.s32 s21, s4  }
0x9d: {  	[timem:s22], [sflag:s7] =	dma.local [hbm:s6], s5  }
0x9e: {  	_ =	swait.ge [sflag:s7], s5  }
0x9f: {  	s5 =	ssub.s32 $0x0, s5;
	[sflag:s7] =	ssyncset.done $0x0  }
0xa0: {  	[sflag:s7] =	ssyncadd.s32 s5;
	_ =	sdelay $0x1  }
0xa1: {  	s23 =	simm.s32 $0x1B8B  }
0xa2: {  	_ =	swait.ge [sflag:s23], $0x1  }
0xa3: {  	[sflag:s23] =	ssyncset.done $0x0  }
0xa4: {  	[sflag:s23] =	ssyncadd.s32 $0xFFFFFFFF  }
0xa5: {  	s5 =	sld [smem:$0x0]  }
0xa6: {  	s6 =	sand.u32 $0xFFFFFFFE, s1  }
0xa7: {  	p0 =	sne.s32 s1, s6  }
0xa8: {  	s6 =	sshll.u32 @p0 s6, $0xE  }
0xa9: {  	s6 =	sadd.s32 @p0 $0x11B8D, s6;
	s7 =	sshll.u32 @p0 s5, $0x11  }
0xaa: {  	s6 =	sor.u32 @p0 s7, s6  }
0xab: {  	[sflag:s6] =	ssyncadd.remote.s32 @p0 $0x1;
	_ =	sdelay $0x1  }
0xac: {  	s6 =	simm.s32 @p0 $0x1B8D  }
0xad: {  	_ =	swait.eq @p0 [sflag:s6], $0x1  }
0xae: {  	[sflag:s6] =	ssyncadd.s32 @p0 $0xFFFFFFFF  }
0xaf: {  	s7 =	sshll.u32 @!p0 s1, $0xE  }
0xb0: {  	s7 =	sor.u32 @!p0 $0x4000, s7;
	s6 =	simm.s32 @!p0 $0x1B8D  }
0xb1: {  	s5 =	sshll.u32 @!p0 s5, $0x11;
	s7 =	sadd.s32 @!p0 $0x11B8D, s7;
	_ =	swait.eq @!p0 [sflag:s6], $0x1  }
0xb2: {  	s5 =	sor.u32 @!p0 s5, s7;
	[sflag:s6] =	ssyncadd.s32 @!p0 $0xFFFFFFFF  }
0xb3: {  	s25 =	simm.s32 $0x1B8E;
	s24 =	sld [smem:$0x3FFE];
	[sflag:s5] =	ssyncadd.remote.s32 @!p0 $0x1  }
0xb4: {  	s26 =	simm.s32 $execute0_lowered;
	[smem:$0x3FD2] =	sst s25  }
0xb5: {  	s6 =	sshll.u32 s26, $0x1;
	_ =	strace $0x80000049;
	[dreg:$0x1] =	wrdreg $0xFFFFFFFF  }
0xb6: {  	s28 =	simm.s32 $_size_execute0_lowered;
	s4 =	sadd.s32 s4, s6;
	[dreg:$0x0] =	wrdreg $0x0  }
0xb7: {  	s6 =	sshll.u32 s28, $0x1;
	[dreg:$0x2] =	wrdreg s4  }
0xb8: {  	[dreg:$0x3] =	wrdreg s6  }
0xb9: {  	[dreg:$0x4] =	wrdreg $0xC0  }
0xba: {  	_ =	task [dreg:s22], $0x5FFFF  }
0xbb: {  	[dreg:$0x1] =	wrdreg $0xFFFFFFFF  }
0xbc: {  	[dreg:$0x0] =	wrdreg $0x60  }
0xbd: {  	[dreg:$0x2] =	wrdreg s24  }
0xbe: {  	[dreg:$0x3] =	wrdreg s18  }
0xbf: {  	[dreg:$0x4] =	wrdreg $0xA  }
0xc0: {  	_ =	task.clear_ibuf [dreg:s22], $0x5FFFF;
	_ =	strace $0x90000049  }
0xc1: {  	s29 =	simm.s32 $0xA;
	_ =	strace $0x8000004B  }
0xc2: {  	_ =	swait.ge [sflag:s29], $0x1  }
0xc3: {  	[sflag:s29] =	ssyncadd.s32 $0xFFFFFFFF  }
0xc4: {  	_ =	strace $0x9000004B  }
0xc5: {  	_ =	sfence  }
0xc6: {  	s30 =	sld [smem:$0x0];
	_ =	sdelay $0x2  }
0xc7: {  	s31 =	sshll.u32 s1, $0xD;
	s1 =	sshrl.u32 s1, $0x2  }
0xc8: {  	s4 =	sand.u32 $0x4000, s31;
	s1 =	sadd.s32 s1, s30  }
0xc9: {  	s0 =	sor.u32 s4, s0;
	s1 =	sshll.u32 s1, $0x11  }
0xca: {  	s0 =	sor.u32 s1, s0  }
0xcb: {  	s0 =	sadd.s32 $0x8F2B, s0  }
0xcc: {  	[sflag:s0] =	ssyncadd.remote.s32 $0x1  }
0xcd: {  	_ =	sfence.sel $0xFFFF  }
0xce: {  	[dreg:$0x0] =	wrdreg $0xFFFFFFFF;
	(pc) =	sbr.abs _section_cstart, $3  }
0xcf: {  	[dreg:$0x1] =	wrdreg $0xFFFFFFFF  }
0xd0: {  	_ =	task.clear_ibuf [dreg:s22], $0x2FFFF;
	_ =	strace $0x9FFFFFFF  }
0xd1: {  	(tm) =	ssettm $0x7FFFFFFF  }
tec
execute0_lowered:
.L_overlay_start_1:
0x0: {  	(tag) =	ssettag $0x1  }
0x1: {  	s4 =	rddreg [dreg:$0x0];
	s1 =	srdreg.scid  }
0x2: {  	s0 =	stileid.u32;
	s2 =	rddreg [dreg:$0x1]  }
0x3: {  	s3 =	simm.s32 $0x0;
	s9 =	simm.s32 $0x3;
	s10 =	simm.s32 $0x4E80  }
0x4: {  	s11 =	simm.s32 $0x5B80;
	s12 =	simm.s32 $0x6880;
	s13 =	simm.s32 $0x80  }
0x5: {  	s14 =	simm.s32 $0x400;
	s15 =	simm.s32 $0xDE00;
	s16 =	simm.s32 $0x1  }
0x6: {  	s17 =	simm.s32 $0x2;
	s5 =	sand.u32 $0x1, s1;
	s6 =	sshll.u32 s0, $0x1  }
0x7: {  	s18 =	simm.s32 $0x0;
	s1 =	rddreg [dreg:$0x2];
	s7 =	sor.u32 s5, s6  }
0x8: {  	v0 =	vlaneseq.u32;
	[smem:$0x7FF] =	sst s3;
	s5 =	ssub.s32 $0x2, s5;
	s6 =	smul.u32 $0x190, s7  }
0x9: {  	v2 =	vmul.u32 $0xFFFFFFFF, v0;
	_ =	strace $0x8000004A;
	s8 =	sshrl.u32 s5, $0x1;
	s7 =	sshll.u32 s7, $0x4  }
0xa: {  	v1 =	vimm.f32 $0.0e+00;
	vm0 =	vcmask $0x3F3C;
	s8 =	ssub.s32 s5, s8;
	s6 =	sadd.s32 s6, s4;
	s4 =	sadd.s32 $0xF8A00, s4  }
0xb: {  	vm1 =	vmmov $0x7fff;
	v0 =	vimm.s32 $0x0;
	v2 =	vadd.s32 $0xC8, v2;
	s8 =	smax.u32 s8, $0x1;
	s5 =	sadd.s32 $0xF2600, s6;
	s6 =	sadd.s32 $0xEC200, s6  }
.LBB2_1:
0xc: {  	[tilespmem:s3], [sflag:$0x3] =	stream.linear.gather [hbm4b:s2+s3], $0x4E80, $0x38;
	[tilespmem:$0x15600] =	vst v63  }
0xd: {  	_ =	swait.ge [sflag:s9], $0x4E80  }
0xe: {  	[sflag:s9] =	ssyncset.done $0x0  }
0xf: {  	[sflag:s9] =	ssyncadd.s32 $0xFFFFB180  }
0x10: {  	[tilespmem:s10], [sflag:$0x3] =	stream.linear.gather [hbm4b:s5+s3], $0xC80, $0x38;
	[tilespmem:$0x15600] =	vst v63  }
0x11: {  	_ =	swait.ge [sflag:s9], $0xC80  }
0x12: {  	[sflag:s9] =	ssyncset.done $0x0  }
0x13: {  	[sflag:s9] =	ssyncadd.s32 $0xFFFFF380  }
0x14: {  	[tilespmem:s11], [sflag:$0x3] =	stream.linear.gather [hbm4b:s6+s3], $0xC80, $0x38;
	[tilespmem:$0x15600] =	vst v63  }
0x15: {  	_ =	swait.ge [sflag:s9], $0xC80  }
0x16: {  	[sflag:s9] =	ssyncset.done $0x0  }
0x17: {  	[sflag:s9] =	ssyncadd.s32 $0xFFFFF380  }
0x18: {  	s19 =	simm.s32 $0x0;
	[tilespmem:$0x15590] =	vst v0  }
.LBB2_2:
0x19: {  	p0 =	sne.s32 s19, $0x1D480  }
.Ltmp0:
0x1a: {  	_ = 	snop;
	(pc) =	sbr.rel @p0 .LBB2_2-.Ltmp0, $4  }
0x1b: {  	_ = 	snop  }
0x1c: {  	s20 =	sshra.s32 s19, $0x2  }
0x1d: {  	[tilespmem:s20+$0x6880] =	vst v1  }
0x1e: {  	s19 =	sadd.s32 $0x40, s19;
	[tilespmem:s20+$0xDE00] =	vst v1  }
0x1f: {  	s19 =	simm.s32 $0x0;
	s20 =	simm.s32 $0x4E80  }
0x20: {  	s21 =	simm.s32 $0x5B80;
	s22 =	simm.s32 $0x4F48;
	s23 =	simm.s32 $0x5C48  }
.LBB2_4:
0x21: {  	p0 =	seq.s32 s19, $0x0  }
0x22: {  	s24 =	simm.s32 @!p0 $0x1  }
0x23: {  	_ =	swait.ge @!p0 [sflag:s24], $0x7580  }
0x24: {  	[sflag:s24] =	ssyncset.done @!p0 $0x0  }
0x25: {  	[sflag:s24] =	ssyncadd.s32 @!p0 $0xFFFF8A80  }
0x26: {  	v3 =	vld @!p0 [tilespmem:$0x15380];
	_ =	sdelay $0x6  }
0x27: {  	v4 =	vimm.f32 @!p0 $0.0e+00;
	s26 =	simm.s32 @!p0 $0x6880  }
0x28: {  	[tilespmem:v3+s26+$0x0] =	vst.idx.msk @!p0 $0xffff, v4  }
0x29: {  	v3 =	vld @!p0 [tilespmem:$0x15390];
	_ =	sdelay $0x7  }
0x2a: {  	[tilespmem:v3+s26+$0x0] =	vst.idx.msk @!p0 $0xffff, v4  }
0x2b: {  	v3 =	vld @!p0 [tilespmem:$0x153A0];
	_ =	sdelay $0x7  }
0x2c: {  	[tilespmem:v3+s26+$0x0] =	vst.idx.msk @!p0 $0xffff, v4  }
0x2d: {  	v3 =	vld @!p0 [tilespmem:$0x153B0];
	_ =	sdelay $0x7  }
0x2e: {  	[tilespmem:v3+s26+$0x0] =	vst.idx.msk @!p0 $0xffff, v4  }
0x2f: {  	v3 =	vld @!p0 [tilespmem:$0x153C0];
	_ =	sdelay $0x7  }
0x30: {  	[tilespmem:v3+s26+$0x0] =	vst.idx.msk @!p0 $0xffff, v4  }
0x31: {  	v3 =	vld @!p0 [tilespmem:$0x153D0];
	_ =	sdelay $0x7  }
0x32: {  	[tilespmem:v3+s26+$0x0] =	vst.idx.msk @!p0 $0xffff, v4  }
0x33: {  	v3 =	vld @!p0 [tilespmem:$0x153E0];
	_ =	sdelay $0x7  }
0x34: {  	[tilespmem:v3+s26+$0x0] =	vst.idx.msk @!p0 $0xffff, v4  }
0x35: {  	v3 =	vld @!p0 [tilespmem:$0x153F0];
	_ =	sdelay $0x7  }
0x36: {  	[tilespmem:v3+s26+$0x0] =	vst.idx.msk @!p0 $0xffff, v4  }
0x37: {  	v3 =	vld @!p0 [tilespmem:$0x15400];
	_ =	sdelay $0x7  }
0x38: {  	[tilespmem:v3+s26+$0x0] =	vst.idx.msk @!p0 $0xffff, v4  }
0x39: {  	v3 =	vld @!p0 [tilespmem:$0x15410];
	_ =	sdelay $0x7  }
0x3a: {  	[tilespmem:v3+s26+$0x0] =	vst.idx.msk @!p0 $0xffff, v4  }
0x3b: {  	v3 =	vld @!p0 [tilespmem:$0x15420];
	_ =	sdelay $0x7  }
0x3c: {  	[tilespmem:v3+s26+$0x0] =	vst.idx.msk @!p0 $0xffff, v4  }
0x3d: {  	v3 =	vld @!p0 [tilespmem:$0x15430];
	_ =	sdelay $0x7  }
0x3e: {  	[tilespmem:v3+s26+$0x0] =	vst.idx.msk @!p0 $0xffff, v4  }
0x3f: {  	v3 =	vld @!p0 [tilespmem:$0x15440];
	_ =	sdelay $0x6  }
0x40: {  	s28 =	smov.u32 s21;
	s29 =	smov.u32 s20;
	s24 =	sshll.u32 s19, $0x1  }
0x41: {  	s30 =	simm.s32 $0x0;
	s25 =	sadd.s32 s7, s24;
	[tilespmem:v3+s26+$0x0] =	vst.idx.msk @!p0 $0xffff, v4;
	s26 =	simm.s32 $0x15380  }
.LBB2_5:
0x42: {  	v3 =	vld [tilespmem:s29+$0x0];
	_ =	sdelay $0x4  }
0x43: {  	vm2 =	vgt.s32 v3, $0x0  }
0x44: {  	v3 =	vnsel vm2, $0x0, v3  }
0x45: {  	v3 =	vmin.u32 v3, $0x4E1F;
	_ =	sdelay $0x4  }
0x46: {  	v3 =	vld.idx.msk [tilespmem:v3+s3+$0x0], $0xffff;
	_ =	sdelay $0x4  }
0x47: {  	[tilespmem:s26+$0x0] =	vst v3  }
0x48: {  	v4 =	vld [tilespmem:s28+$0x0];
	_ =	sdelay $0x2  }
0x49: {  	v5 =	vmov s30  }
0x4a: {  	vm2 =	vlt.u32 v5, v2  }
0x4b: {  	v3 =	vxor.u32 $0x80000000, v3;
	v4 =	vnsel vm2, $0x0, v4  }
0x4c: {  	(xrf1) =	vsort.ascd.msk.u32 $0xffff, v3, v4;
	_ =	sdelay $0xd  }
0x4d: {  	v3, v4, _ =	vpop (xrf1)  }
0x4e: {  	v3 =	vxor.u32 $0x80000000, v3  }
0x4f: {  	[tilespmem:$0x15580] =	vst v3  }
0x50: {  	(xrf2) =	vadd.scan.msk.f32 $0xffff, v4;
	v62 =	vld [tilespmem:$0x15581];
	_ =	sdelay $0x4  }
0x51: {  	vm2 =	vne.s32 v3, v62  }
0x52: {  	vm3 =	vmor vm2, vm0  }
0x53: {  	vm2 =	vmand vm2, vm1  }
0x54: {  	p1 =	sne.s32 s30, $0xC0  }
.Ltmp1:
0x55: {  	_ = 	snop;
	(pc) =	sbr.rel @p1 .LBB2_5-.Ltmp1, $4  }
0x56: {  	v63, _, _ =	vpop (xrf2)  }
0x57: {  	v6 =	vsub.f32 $0.0e+00, v63  }
0x58: {  	s29 =	sadd.s32 $0x10, s29;
	[tilespmem:v3+s12+$0x0] =	vst.idx.add.f32.msk vm3, v63  }
0x59: {  	s30 =	sadd.s32 $0x10, s30;
	s26 =	sadd.s32 $0x10, s26;
	s28 =	sadd.s32 $0x10, s28;
	[tilespmem:v62+s12+$0x0] =	vst.idx.add.f32.msk vm2, v6  }
0x5a: {  	s25 =	sshrl.u32 s25, $0x3  }
0x5b: {  	s26 =	sshll.u32 s19, $0x8;
	s25 =	smul.u32 $0x3AC00, s25  }
0x5c: {  	s26 =	sand.u32 $0x300, s26  }
0x5d: {  	s26 =	sor.u32 s26, s25  }
0x5e: {  	s26 =	sshrl.u32 s26, $0x3  }
0x5f: {  	s26 =	sadd.s32 s4, s26  }
0x60: {  	[hbm4b:s26+s13] =	stream.strided.scatter [tilespmem:s12], [sflag:$0x1], $0x7580, s14, s13, $0x38;
	[tilespmem:$0x15600] =	vst v63  }
0x61: {  	s26 =	simm.s32 @!p0 $0x2  }
0x62: {  	_ =	swait.ge @!p0 [sflag:s26], $0x7580  }
0x63: {  	[sflag:s26] =	ssyncset.done @!p0 $0x0  }
0x64: {  	[sflag:s26] =	ssyncadd.s32 @!p0 $0xFFFF8A80  }
0x65: {  	v3 =	vld @!p0 [tilespmem:$0x15480];
	_ =	sdelay $0x6  }
0x66: {  	v4 =	vimm.f32 @!p0 $0.0e+00;
	s26 =	simm.s32 @!p0 $0xDE00  }
0x67: {  	[tilespmem:v3+s26+$0x0] =	vst.idx.msk @!p0 $0xffff, v4  }
0x68: {  	v3 =	vld @!p0 [tilespmem:$0x15490];
	_ =	sdelay $0x7  }
0x69: {  	[tilespmem:v3+s26+$0x0] =	vst.idx.msk @!p0 $0xffff, v4  }
0x6a: {  	v3 =	vld @!p0 [tilespmem:$0x154A0];
	_ =	sdelay $0x7  }
0x6b: {  	[tilespmem:v3+s26+$0x0] =	vst.idx.msk @!p0 $0xffff, v4  }
0x6c: {  	v3 =	vld @!p0 [tilespmem:$0x154B0];
	_ =	sdelay $0x7  }
0x6d: {  	[tilespmem:v3+s26+$0x0] =	vst.idx.msk @!p0 $0xffff, v4  }
0x6e: {  	v3 =	vld @!p0 [tilespmem:$0x154C0];
	_ =	sdelay $0x7  }
0x6f: {  	[tilespmem:v3+s26+$0x0] =	vst.idx.msk @!p0 $0xffff, v4  }
0x70: {  	v3 =	vld @!p0 [tilespmem:$0x154D0];
	_ =	sdelay $0x7  }
0x71: {  	[tilespmem:v3+s26+$0x0] =	vst.idx.msk @!p0 $0xffff, v4  }
0x72: {  	v3 =	vld @!p0 [tilespmem:$0x154E0];
	_ =	sdelay $0x7  }
0x73: {  	[tilespmem:v3+s26+$0x0] =	vst.idx.msk @!p0 $0xffff, v4  }
0x74: {  	v3 =	vld @!p0 [tilespmem:$0x154F0];
	_ =	sdelay $0x7  }
0x75: {  	[tilespmem:v3+s26+$0x0] =	vst.idx.msk @!p0 $0xffff, v4  }
0x76: {  	v3 =	vld @!p0 [tilespmem:$0x15500];
	_ =	sdelay $0x7  }
0x77: {  	[tilespmem:v3+s26+$0x0] =	vst.idx.msk @!p0 $0xffff, v4  }
0x78: {  	v3 =	vld @!p0 [tilespmem:$0x15510];
	_ =	sdelay $0x7  }
0x79: {  	[tilespmem:v3+s26+$0x0] =	vst.idx.msk @!p0 $0xffff, v4  }
0x7a: {  	v3 =	vld @!p0 [tilespmem:$0x15520];
	_ =	sdelay $0x7  }
0x7b: {  	[tilespmem:v3+s26+$0x0] =	vst.idx.msk @!p0 $0xffff, v4  }
0x7c: {  	v3 =	vld @!p0 [tilespmem:$0x15530];
	_ =	sdelay $0x7  }
0x7d: {  	[tilespmem:v3+s26+$0x0] =	vst.idx.msk @!p0 $0xffff, v4  }
0x7e: {  	v3 =	vld @!p0 [tilespmem:$0x15540];
	_ =	sdelay $0x6  }
0x7f: {  	s24 =	sor.u32 $0x1, s24;
	s28 =	simm.s32 $0x15480  }
0x80: {  	s29 =	smov.u32 s23;
	s30 =	smov.u32 s22;
	[tilespmem:v3+s26+$0x0] =	vst.idx.msk @!p0 $0xffff, v4;
	s26 =	simm.s32 $0x0  }
.LBB2_7:
0x81: {  	v3 =	vld [tilespmem:s30+$0x0];
	_ =	sdelay $0x4  }
0x82: {  	vm2 =	vgt.s32 v3, $0x0  }
0x83: {  	v3 =	vnsel vm2, $0x0, v3  }
0x84: {  	v3 =	vmin.u32 v3, $0x4E1F;
	_ =	sdelay $0x4  }
0x85: {  	v3 =	vld.idx.msk [tilespmem:v3+s3+$0x0], $0xffff;
	_ =	sdelay $0x4  }
0x86: {  	[tilespmem:s28+$0x0] =	vst v3  }
0x87: {  	v4 =	vld [tilespmem:s29+$0x0];
	_ =	sdelay $0x2  }
0x88: {  	v5 =	vmov s26  }
0x89: {  	vm2 =	vlt.u32 v5, v2  }
0x8a: {  	v3 =	vxor.u32 $0x80000000, v3;
	v4 =	vnsel vm2, $0x0, v4  }
0x8b: {  	(xrf1) =	vsort.ascd.msk.u32 $0xffff, v3, v4;
	_ =	sdelay $0xd  }
0x8c: {  	v3, v4, _ =	vpop (xrf1)  }
0x8d: {  	v3 =	vxor.u32 $0x80000000, v3  }
0x8e: {  	[tilespmem:$0x15580] =	vst v3  }
0x8f: {  	(xrf2) =	vadd.scan.msk.f32 $0xffff, v4;
	v62 =	vld [tilespmem:$0x15581];
	_ =	sdelay $0x4  }
0x90: {  	vm2 =	vne.s32 v3, v62  }
0x91: {  	vm3 =	vmor vm2, vm0  }
0x92: {  	vm2 =	vmand vm2, vm1  }
0x93: {  	p0 =	sne.s32 s26, $0xC0  }
.Ltmp2:
0x94: {  	_ = 	snop;
	(pc) =	sbr.rel @p0 .LBB2_7-.Ltmp2, $4  }
0x95: {  	v63, _, _ =	vpop (xrf2)  }
0x96: {  	v6 =	vsub.f32 $0.0e+00, v63  }
0x97: {  	s30 =	sadd.s32 $0x10, s30;
	[tilespmem:v3+s15+$0x0] =	vst.idx.add.f32.msk vm3, v63  }
0x98: {  	s26 =	sadd.s32 $0x10, s26;
	s28 =	sadd.s32 $0x10, s28;
	s29 =	sadd.s32 $0x10, s29;
	[tilespmem:v62+s15+$0x0] =	vst.idx.add.f32.msk vm2, v6  }
0x99: {  	s19 =	sadd.s32 $0x1, s19  }
0x9a: {  	s24 =	sshll.u32 s24, $0x7;
	p0 =	sne.s32 s19, $0x8  }
.Ltmp3:
0x9b: {  	s24 =	sand.u32 $0x380, s24;
	(pc) =	sbr.rel @p0 .LBB2_4-.Ltmp3, $4  }
0x9c: {  	s24 =	sor.u32 s24, s25  }
0x9d: {  	s20 =	sadd.s32 $0x190, s20;
	s21 =	sadd.s32 $0x190, s21;
	s24 =	sshrl.u32 s24, $0x3  }
0x9e: {  	s22 =	sadd.s32 $0x190, s22;
	s23 =	sadd.s32 $0x190, s23;
	s24 =	sadd.s32 s4, s24  }
0x9f: {  	[hbm4b:s24+s13] =	stream.strided.scatter [tilespmem:s15], [sflag:$0x2], $0x7580, s14, s13, $0x38;
	[tilespmem:$0x15600] =	vst v63  }
0xa0: {  	s18 =	sadd.s32 $0x1, s18  }
0xa1: {  	_ =	swait.ge [sflag:s16], $0x7580;
	p0 =	sne.s32 s18, s8  }
.Ltmp4:
0xa2: {  	[sflag:s16] =	ssyncset.done $0x0;
	(pc) =	sbr.rel @p0 .LBB2_1-.Ltmp4, $4  }
0xa3: {  	[sflag:s16] =	ssyncadd.s32 $0xFFFF8A80  }
0xa4: {  	_ =	swait.ge [sflag:s17], $0x7580  }
0xa5: {  	[sflag:s17] =	ssyncset.done $0x0  }
0xa6: {  	[sflag:s17] =	ssyncadd.s32 $0xFFFF8A80  }
0xa7: {  	_ =	sfence.sel $0x180000  }
0xa8: {  	[bflag:$0x0] =	sbarrier.arrive $0xFFFF  }
0xa9: {  	p0 =	sne.s32 s0, $0x0;
	_ =	strace $0x9000004A  }
0xaa: {  	s0 =	sadd.s32 @!p0 $0x100000, s1;
	[bflag:$0x2] =	sbarrier.arrive $0xFFFF  }
0xab: {  	[sflag:s0] =	ssyncadd.tile.s32 @!p0 $0x1;
	_ =	shalt  }
.Lfunc_end2:
_tile_overlayer_lowered:
.L_overlay_start_2:
0xac: {  	(tag) =	ssettag $0x2  }
0xad: {  	s0 =	rddreg [dreg:$0x0];
	s2 =	stileid.u32  }
0xae: {  	s1 =	rddreg [dreg:$0x1];
	p0 =	sne.s32 s2, $0x0  }
0xaf: {  	s3 =	rddreg [dreg:$0x2];
	[bflag:$0x3] =	sbarrier.arrive $0xFFFF;
	s2 =	simm.s32 @!p0 $0x1C03  }
0xb0: {  	[timem:s3], [sflag:s2] =	dma.local @!p0 [hbm:s0], s1  }
0xb1: {  	s0 =	simm.s32 @!p0 $0x3  }
0xb2: {  	_ =	swait.ge @!p0 [sflag:s0], s1  }
0xb3: {  	s1 =	ssub.s32 @!p0 $0x0, s1;
	[sflag:s0] =	ssyncset.done @!p0 $0x0  }
0xb4: {  	[sflag:s0] =	ssyncadd.s32 @!p0 s1  }
0xb5: {  	[bflag:$0x3] =	sbarrier.arrive $0xFFFF  }
0xb6: {  	_ =	shalt  }

// kernel: kernel.14.cloned.1.call-start
scs
__scs_entry_jumppad:
0x0: {  	(pc) =	sbr.rel $0x88, $3  }
0x1: {  	(tag) =	ssettag $0x0;
	lr =	simm.s32 $0x1  }
0x2: {  	[smem:$0x3F98] =	sst lr;
	_ =	strace $0xD0000000  }
0x3: {  	_ = 	snop  }
0x4: {  	_ = 	snop  }
0x5: {  	_ = 	snop  }
0x6: {  	_ = 	snop  }
0x7: {  	_ = 	snop  }
__scs_overlays_trampoline_lowered:
0x8: {  	[smem:$0x3FA7] =	sst s0  }
0x9: {  	[smem:$0x3FA8] =	sst s1  }
0xa: {  	[smem:$0x3FA9] =	sst s2  }
0xb: {  	[smem:$0x3FAA] =	sst s3  }
0xc: {  	[smem:$0x3FAB] =	sst s4  }
0xd: {  	[smem:$0x3FAC] =	sst s5  }
0xe: {  	[smem:$0x3FAD] =	sst s6  }
0xf: {  	[smem:$0x3FAE] =	sst s7  }
0x10: {  	[smem:$0x3FAF] =	sst s8  }
0x11: {  	[smem:$0x3FB0] =	sst s9;
	s0 =	simm.s32 @!p0 $0x0  }
0x12: {  	s1 =	sld [smem:$0x3F96];
	s0 =	simm.s32 @p0 $0x1  }
0x13: {  	[smem:$0x3FB1] =	sst s0;
	s0 =	simm.s32 @!p1 $0x0  }
0x14: {  	s2 =	sld [smem:$0x3F95];
	s0 =	simm.s32 @p1 $0x1  }
0x15: {  	[smem:$0x3FB2] =	sst s0;
	s0 =	simm.s32 @!p2 $0x0  }
0x16: {  	s3 =	sld [smem:$0x3FDB];
	s0 =	simm.s32 @p2 $0x1  }
0x17: {  	s4 =	simm.s32 $0x1BF5;
	[smem:$0x3FB4] =	sst s0  }
0x18: {  	s0 =	sld [smem:$0x3F97];
	_ =	swait.ge [sflag:s4], $0x0  }
0x19: {  	s7 =	sld [smem:$0x3F98]  }
0x1a: {  	s8 =	sadd.s32 $0xFFFFE003, lr  }
0x1b: {  	s9 =	sadd.s32 $0xFFFFFEF7, lr;
	s5 =	simm.s32 $0xFFFFFFFF;
	p2 =	slt.u32 s8, $0xFFFFF086  }
0x1c: {  	p1 =	slt.u32 s9, $0xF7A;
	s5 =	simm.s32 @!p2 $0x0  }
0x1d: {  	s5 =	simm.s32 @p1 $0x1;
	p0 =	seq.s32 s7, s2  }
0x1e: {  	s7 =	smul.u32 @!p0 $0xF7A, s2;
	p2 =	seq.s32 @!p0 s5, $0x0  }
0x1f: {  	s9 =	smul.u32 $0xF7A, s1;
	s8 =	simm.s32 @!p0 $0x1BF5;
	p2 =	por !p2, p0  }
0x20: {  	[sflag:s8] =	ssyncset.s32 @!p0 $0xFFFFF086;
	s6 =	sadd.s32 @!p0 s3, s7;
	s7 =	simm.s32 @!p0 $0x108  }
0x21: {  	s3 =	sadd.s32 s3, s9;
	s6 =	sadd.s32 @!p0 $0x88, s6;
	s7 =	simm.s32 @p2 $0x1082  }
0x22: {  	[simem:s7], [sflag:s8] =	dma.local @!p0 [hbm:s6], $0xF7A  }
0x23: {  	s9 =	sor.u32 $0xD0000000, s2;
	s6 =	simm.s32 $0x108;
	_ =	swait.ge @!p0 [sflag:s8], $0x0  }
0x24: {  	s3 =	sadd.s32 $0x88, s3;
	s6 =	simm.s32 @!p1 $0x1082;
	[sflag:s4] =	ssyncset.s32 $0xFFFFF086  }
0x25: {  	[simem:s6], [sflag:s4] =	dma.local [hbm:s3], $0xF7A  }
0x26: {  	[smem:$0x3F98] =	sst s1;
	(tag) =	ssettag s2;
	_ =	strace s9  }
0x27: {  	s1 =	sld [smem:$0x3FA8]  }
0x28: {  	s2 =	sld [smem:$0x3FA9]  }
0x29: {  	s4 =	sld [smem:$0x3FAB]  }
0x2a: {  	p0 =	seq.s32 s5, $0x0;
	s5 =	sld [smem:$0x3FAC]  }
0x2b: {  	s6 =	sld [smem:$0x3FAD]  }
0x2c: {  	s7 =	sld [smem:$0x3FAE]  }
0x2d: {  	s3 =	simm.s32 $0x108;
	s8 =	sld [smem:$0x3FAF]  }
0x2e: {  	s3 =	simm.s32 @!p0 $0x1082;
	s9 =	sld [smem:$0x3FB0]  }
0x2f: {  	lr =	sadd.s32 s0, s3;
	s0 =	sld [smem:$0x3FA7]  }
0x30: {  	s3 =	sld [smem:$0x3FAA]  }
0x31: {  	[smem:$0x3FB3] =	sst s10  }
0x32: {  	s10 =	sld [smem:$0x3FB1];
	_ =	sdelay $0x3  }
0x33: {  	p0 =	seq.s32 s10, $0x1;
	s10 =	sld [smem:$0x3FB3];
	_ =	sdelay $0x3  }
0x34: {  	[smem:$0x3FB3] =	sst s10  }
0x35: {  	s10 =	sld [smem:$0x3FB2];
	_ =	sdelay $0x3  }
0x36: {  	p1 =	seq.s32 s10, $0x1;
	s10 =	sld [smem:$0x3FB3];
	_ =	sdelay $0x3  }
0x37: {  	[smem:$0x3FB3] =	sst s10  }
0x38: {  	s10 =	sld [smem:$0x3FB4]  }
0x39: {  	_ = 	snop;
	(pc) =	sbr.ind lr, $3  }
0x3a: {  	_ = 	snop  }
0x3b: {  	_ = 	snop  }
0x3c: {  	p2 =	seq.s32 s10, $0x1;
	s10 =	sld [smem:$0x3FB3]  }
0x3d: {  	_ =	shalt  }
0x3e: {  	_ =	shalt  }
0x3f: {  	_ =	shalt  }
0x40: {  	_ =	shalt  }
0x41: {  	_ =	shalt  }
0x42: {  	_ =	shalt  }
0x43: {  	_ =	shalt  }
0x44: {  	_ =	shalt  }
0x45: {  	_ =	shalt  }
0x46: {  	_ =	shalt  }
0x47: {  	_ =	shalt  }
0x48: {  	_ =	shalt  }
0x49: {  	_ =	shalt  }
0x4a: {  	_ =	shalt  }
0x4b: {  	_ =	shalt  }
0x4c: {  	_ =	shalt  }
0x4d: {  	_ =	shalt  }
0x4e: {  	_ =	shalt  }
0x4f: {  	_ =	shalt  }
0x50: {  	_ =	shalt  }
0x51: {  	_ =	shalt  }
0x52: {  	_ =	shalt  }
0x53: {  	_ =	shalt  }
0x54: {  	_ =	shalt  }
0x55: {  	_ =	shalt  }
0x56: {  	_ =	shalt  }
0x57: {  	_ =	shalt  }
0x58: {  	_ =	shalt  }
0x59: {  	_ =	shalt  }
0x5a: {  	_ =	shalt  }
0x5b: {  	_ =	shalt  }
0x5c: {  	_ =	shalt  }
0x5d: {  	_ =	shalt  }
0x5e: {  	_ =	shalt  }
0x5f: {  	_ =	shalt  }
0x60: {  	_ =	shalt  }
0x61: {  	_ =	shalt  }
0x62: {  	_ =	shalt  }
0x63: {  	_ =	shalt  }
0x64: {  	_ =	shalt  }
0x65: {  	_ =	shalt  }
0x66: {  	_ =	shalt  }
0x67: {  	_ =	shalt  }
0x68: {  	_ =	shalt  }
0x69: {  	_ =	shalt  }
0x6a: {  	_ =	shalt  }
0x6b: {  	_ =	shalt  }
0x6c: {  	_ =	shalt  }
0x6d: {  	_ =	shalt  }
0x6e: {  	_ =	shalt  }
0x6f: {  	_ =	shalt  }
0x70: {  	_ =	shalt  }
0x71: {  	_ =	shalt  }
0x72: {  	_ =	shalt  }
0x73: {  	_ =	shalt  }
0x74: {  	_ =	shalt  }
0x75: {  	_ =	shalt  }
0x76: {  	_ =	shalt  }
0x77: {  	_ =	shalt  }
0x78: {  	_ =	shalt  }
0x79: {  	_ =	shalt  }
0x7a: {  	_ =	shalt  }
0x7b: {  	_ =	shalt  }
0x7c: {  	_ =	shalt  }
0x7d: {  	_ =	shalt  }
0x7e: {  	_ =	shalt  }
0x7f: {  	_ =	shalt  }
0x80: {  	_ =	shalt  }
0x81: {  	_ =	shalt  }
0x82: {  	_ =	shalt  }
0x83: {  	_ =	shalt  }
0x84: {  	_ =	shalt  }
0x85: {  	_ =	shalt  }
0x86: {  	_ =	shalt  }
0x87: {  	_ =	shalt  }
.Lfunc_end0:
.L_simem_size_0:
called_computation.2_lowered:
.L_overlay_start_0:
0x88: {  	s2 =	sld [smem:$0x3FD9]  }
0x89: {  	s3 =	sld [smem:$0x3FFE];
	_ =	sdelay $0x1  }
0x8a: {  	s1 =	srdreg.scid  }
0x8b: {  	s0 =	sand.u32 $0x1, s1  }
0x8c: {  	s17 =	sshll.u32 s0, $0xA;
	s2 =	sadd.s32 s3, s2  }
0x8d: {  	s2 =	sadd.s32 s2, s17  }
0x8e: {  	[smem:$0x3FBF] =	sst s2  }
0x8f: {  	_ = 	snop  }
0x90: {  	s18 =	sld [smem:$0x3FC1];
	(tm) =	ssettm $0x1  }
0x91: {  	s19 =	sld [smem:$0x3FFB];
	_ =	sdelay $0x3  }
0x92: {  	_ =	strace s19  }
0x93: {  	s2 =	sld [smem:$0x3FFC];
	_ =	sdelay $0x3  }
0x94: {  	_ =	strace s2  }
0x95: {  	s2 =	sld [smem:$0x3FFD];
	_ =	sdelay $0x3  }
0x96: {  	_ =	strace s2  }
0x97: {  	_ =	strace $0x8FFFFFFF  }
0x98: {  	s20 =	sld [smem:$0x3FDB];
	_ =	sdelay $0x1  }
0x99: {  	s4 =	simm.s32 $_scs_section_size  }
0x9a: {  	s5 =	simm.s32 $_size__tile_overlayer_lowered;
	s6 =	simm.s32 $_tile_overlayer_lowered  }
0x9b: {  	s7 =	simm.s32 $0x1BFF;
	s21 =	sshll.u32 s6, $0x1;
	s4 =	sadd.s32 s4, s20  }
0x9c: {  	s22 =	simm.s32 $0x0;
	s5 =	sshll.u32 s5, $0x1;
	s6 =	sadd.s32 s21, s4  }
0x9d: {  	[timem:s22], [sflag:s7] =	dma.local [hbm:s6], s5  }
0x9e: {  	_ =	swait.ge [sflag:s7], s5  }
0x9f: {  	s5 =	ssub.s32 $0x0, s5;
	[sflag:s7] =	ssyncset.done $0x0  }
0xa0: {  	[sflag:s7] =	ssyncadd.s32 s5;
	_ =	sdelay $0x1  }
0xa1: {  	s23 =	simm.s32 $0x1B8B  }
0xa2: {  	_ =	swait.ge [sflag:s23], $0x1  }
0xa3: {  	[sflag:s23] =	ssyncset.done $0x0  }
0xa4: {  	[sflag:s23] =	ssyncadd.s32 $0xFFFFFFFF  }
0xa5: {  	s5 =	sld [smem:$0x0]  }
0xa6: {  	s6 =	sand.u32 $0xFFFFFFFE, s1  }
0xa7: {  	p0 =	sne.s32 s1, s6  }
0xa8: {  	s6 =	sshll.u32 @p0 s6, $0xE  }
0xa9: {  	s6 =	sadd.s32 @p0 $0x11B8D, s6;
	s7 =	sshll.u32 @p0 s5, $0x11  }
0xaa: {  	s6 =	sor.u32 @p0 s7, s6  }
0xab: {  	[sflag:s6] =	ssyncadd.remote.s32 @p0 $0x1;
	_ =	sdelay $0x1  }
0xac: {  	s6 =	simm.s32 @p0 $0x1B8D  }
0xad: {  	_ =	swait.eq @p0 [sflag:s6], $0x1  }
0xae: {  	[sflag:s6] =	ssyncadd.s32 @p0 $0xFFFFFFFF  }
0xaf: {  	s7 =	sshll.u32 @!p0 s1, $0xE  }
0xb0: {  	s7 =	sor.u32 @!p0 $0x4000, s7;
	s6 =	simm.s32 @!p0 $0x1B8D  }
0xb1: {  	s5 =	sshll.u32 @!p0 s5, $0x11;
	s7 =	sadd.s32 @!p0 $0x11B8D, s7;
	_ =	swait.eq @!p0 [sflag:s6], $0x1  }
0xb2: {  	s5 =	sor.u32 @!p0 s5, s7;
	[sflag:s6] =	ssyncadd.s32 @!p0 $0xFFFFFFFF  }
0xb3: {  	s25 =	simm.s32 $0x1B8E;
	s24 =	sld [smem:$0x3FFE];
	[sflag:s5] =	ssyncadd.remote.s32 @!p0 $0x1  }
0xb4: {  	s26 =	simm.s32 $execute0_lowered;
	[smem:$0x3FD2] =	sst s25  }
0xb5: {  	s6 =	sshll.u32 s26, $0x1;
	_ =	strace $0x8000004C;
	[dreg:$0x1] =	wrdreg $0xFFFFFFFF  }
0xb6: {  	s28 =	simm.s32 $_size_execute0_lowered;
	s4 =	sadd.s32 s4, s6;
	[dreg:$0x0] =	wrdreg $0x0  }
0xb7: {  	s6 =	sshll.u32 s28, $0x1;
	[dreg:$0x2] =	wrdreg s4  }
0xb8: {  	[dreg:$0x3] =	wrdreg s6  }
0xb9: {  	[dreg:$0x4] =	wrdreg $0xC0  }
0xba: {  	_ =	task [dreg:s22], $0x5FFFF  }
0xbb: {  	[dreg:$0x1] =	wrdreg $0xFFFFFFFF  }
0xbc: {  	[dreg:$0x0] =	wrdreg $0x60  }
0xbd: {  	[dreg:$0x2] =	wrdreg s24  }
0xbe: {  	[dreg:$0x3] =	wrdreg s18  }
0xbf: {  	[dreg:$0x4] =	wrdreg $0xB  }
0xc0: {  	_ =	task.clear_ibuf [dreg:s22], $0x5FFFF;
	_ =	strace $0x9000004C  }
0xc1: {  	s29 =	simm.s32 $0xB;
	_ =	strace $0x8000004E  }
0xc2: {  	_ =	swait.ge [sflag:s29], $0x1  }
0xc3: {  	[sflag:s29] =	ssyncadd.s32 $0xFFFFFFFF  }
0xc4: {  	_ =	strace $0x9000004E  }
0xc5: {  	_ =	sfence  }
0xc6: {  	s30 =	sld [smem:$0x0];
	_ =	sdelay $0x2  }
0xc7: {  	s31 =	sshll.u32 s1, $0xD;
	s1 =	sshrl.u32 s1, $0x2  }
0xc8: {  	s4 =	sand.u32 $0x4000, s31;
	s1 =	sadd.s32 s1, s30  }
0xc9: {  	s0 =	sor.u32 s4, s0;
	s1 =	sshll.u32 s1, $0x11  }
0xca: {  	s0 =	sor.u32 s1, s0  }
0xcb: {  	s0 =	sadd.s32 $0x8F2B, s0  }
0xcc: {  	[sflag:s0] =	ssyncadd.remote.s32 $0x1  }
0xcd: {  	_ =	sfence.sel $0xFFFF  }
0xce: {  	[dreg:$0x0] =	wrdreg $0xFFFFFFFF;
	(pc) =	sbr.abs _section_cstart, $3  }
0xcf: {  	[dreg:$0x1] =	wrdreg $0xFFFFFFFF  }
0xd0: {  	_ =	task.clear_ibuf [dreg:s22], $0x2FFFF;
	_ =	strace $0x9FFFFFFF  }
0xd1: {  	(tm) =	ssettm $0x7FFFFFFF  }
tec
execute0_lowered:
.L_overlay_start_1:
0x0: {  	(tag) =	ssettag $0x1  }
0x1: {  	s1 =	srdreg.scid;
	s6 =	rddreg [dreg:$0x0]  }
0x2: {  	s0 =	stileid.u32;
	s3 =	rddreg [dreg:$0x1];
	s4 =	simm.s32 $0x0  }
0x3: {  	s10 =	simm.s32 $0x4E80;
	s11 =	simm.s32 $0x5B80;
	s12 =	simm.s32 $0x6880  }
0x4: {  	s13 =	simm.s32 $0x80;
	s14 =	simm.s32 $0x400;
	s5 =	sand.u32 $0x1, s1  }
0x5: {  	s15 =	simm.s32 $0xDE00;
	s29 =	sshll.u32 s0, $0x5;
	s2 =	sshll.u32 s5, $0x4  }
0x6: {  	s16 =	simm.s32 $0x1;
	s17 =	simm.s32 $0x2;
	s2 =	sor.u32 s2, s29  }
0x7: {  	s1 =	rddreg [dreg:$0x2];
	s8 =	ssub.s32 $0x2, s5;
	s7 =	smul.u32 $0xC8, s2  }
0x8: {  	v0 =	vlaneseq.u32;
	s18 =	simm.s32 $0x0;
	[smem:$0x7FF] =	sst s4;
	s31 =	sshrl.u32 s8, $0x1  }
0x9: {  	v2 =	vmul.u32 $0xFFFFFFFF, v0;
	_ =	strace $0x8000004D;
	s8 =	ssub.s32 s8, s31;
	s30 =	sshrl.u32 s7, $0x3  }
0xa: {  	v1 =	vimm.f32 $0.0e+00;
	vm0 =	vcmask $0x3F3C;
	s5 =	sadd.s32 $0x2CEA00, s6;
	s8 =	smax.u32 s8, $0x1;
	s9 =	sadd.s32 s6, s30  }
0xb: {  	vm1 =	vmmov $0x7fff;
	v0 =	vimm.s32 $0x0;
	v2 =	vadd.s32 $0xC8, v2;
	s6 =	sadd.s32 $0xF5800, s9;
	s7 =	sadd.s32 $0xEF400, s9;
	s9 =	simm.s32 $0x3  }
.LBB2_1:
0xc: {  	[tilespmem:s4], [sflag:$0x3] =	stream.linear.gather [hbm4b:s3+s4], $0x4E80, $0x38;
	[tilespmem:$0x15600] =	vst v63  }
0xd: {  	_ =	swait.ge [sflag:s9], $0x4E80  }
0xe: {  	[sflag:s9] =	ssyncset.done $0x0  }
0xf: {  	[sflag:s9] =	ssyncadd.s32 $0xFFFFB180  }
0x10: {  	[tilespmem:s10], [sflag:$0x3] =	stream.linear.gather [hbm4b:s6+s4], $0xC80, $0x38;
	[tilespmem:$0x15600] =	vst v63  }
0x11: {  	_ =	swait.ge [sflag:s9], $0xC80  }
0x12: {  	[sflag:s9] =	ssyncset.done $0x0  }
0x13: {  	[sflag:s9] =	ssyncadd.s32 $0xFFFFF380  }
0x14: {  	[tilespmem:s11], [sflag:$0x3] =	stream.linear.gather [hbm4b:s7+s4], $0xC80, $0x38;
	[tilespmem:$0x15600] =	vst v63  }
0x15: {  	_ =	swait.ge [sflag:s9], $0xC80  }
0x16: {  	[sflag:s9] =	ssyncset.done $0x0  }
0x17: {  	[sflag:s9] =	ssyncadd.s32 $0xFFFFF380  }
0x18: {  	s19 =	simm.s32 $0x0;
	[tilespmem:$0x15590] =	vst v0  }
.LBB2_2:
0x19: {  	p0 =	sne.s32 s19, $0x1D480  }
.Ltmp0:
0x1a: {  	_ = 	snop;
	(pc) =	sbr.rel @p0 .LBB2_2-.Ltmp0, $4  }
0x1b: {  	_ = 	snop  }
0x1c: {  	s20 =	sshra.s32 s19, $0x2  }
0x1d: {  	[tilespmem:s20+$0x6880] =	vst v1  }
0x1e: {  	s19 =	sadd.s32 $0x40, s19;
	[tilespmem:s20+$0xDE00] =	vst v1  }
0x1f: {  	s19 =	simm.s32 $0x0;
	s20 =	simm.s32 $0x4E80  }
0x20: {  	s21 =	simm.s32 $0x5B80;
	s22 =	simm.s32 $0x4F48;
	s23 =	simm.s32 $0x5C48  }
.LBB2_4:
0x21: {  	p0 =	seq.s32 s19, $0x0  }
0x22: {  	s24 =	simm.s32 @!p0 $0x1  }
0x23: {  	_ =	swait.ge @!p0 [sflag:s24], $0x7580  }
0x24: {  	[sflag:s24] =	ssyncset.done @!p0 $0x0  }
0x25: {  	[sflag:s24] =	ssyncadd.s32 @!p0 $0xFFFF8A80  }
0x26: {  	v3 =	vld @!p0 [tilespmem:$0x15380];
	_ =	sdelay $0x6  }
0x27: {  	v4 =	vimm.f32 @!p0 $0.0e+00;
	s26 =	simm.s32 @!p0 $0x6880  }
0x28: {  	[tilespmem:v3+s26+$0x0] =	vst.idx.msk @!p0 $0xffff, v4  }
0x29: {  	v3 =	vld @!p0 [tilespmem:$0x15390];
	_ =	sdelay $0x7  }
0x2a: {  	[tilespmem:v3+s26+$0x0] =	vst.idx.msk @!p0 $0xffff, v4  }
0x2b: {  	v3 =	vld @!p0 [tilespmem:$0x153A0];
	_ =	sdelay $0x7  }
0x2c: {  	[tilespmem:v3+s26+$0x0] =	vst.idx.msk @!p0 $0xffff, v4  }
0x2d: {  	v3 =	vld @!p0 [tilespmem:$0x153B0];
	_ =	sdelay $0x7  }
0x2e: {  	[tilespmem:v3+s26+$0x0] =	vst.idx.msk @!p0 $0xffff, v4  }
0x2f: {  	v3 =	vld @!p0 [tilespmem:$0x153C0];
	_ =	sdelay $0x7  }
0x30: {  	[tilespmem:v3+s26+$0x0] =	vst.idx.msk @!p0 $0xffff, v4  }
0x31: {  	v3 =	vld @!p0 [tilespmem:$0x153D0];
	_ =	sdelay $0x7  }
0x32: {  	[tilespmem:v3+s26+$0x0] =	vst.idx.msk @!p0 $0xffff, v4  }
0x33: {  	v3 =	vld @!p0 [tilespmem:$0x153E0];
	_ =	sdelay $0x7  }
0x34: {  	[tilespmem:v3+s26+$0x0] =	vst.idx.msk @!p0 $0xffff, v4  }
0x35: {  	v3 =	vld @!p0 [tilespmem:$0x153F0];
	_ =	sdelay $0x7  }
0x36: {  	[tilespmem:v3+s26+$0x0] =	vst.idx.msk @!p0 $0xffff, v4  }
0x37: {  	v3 =	vld @!p0 [tilespmem:$0x15400];
	_ =	sdelay $0x7  }
0x38: {  	[tilespmem:v3+s26+$0x0] =	vst.idx.msk @!p0 $0xffff, v4  }
0x39: {  	v3 =	vld @!p0 [tilespmem:$0x15410];
	_ =	sdelay $0x7  }
0x3a: {  	[tilespmem:v3+s26+$0x0] =	vst.idx.msk @!p0 $0xffff, v4  }
0x3b: {  	v3 =	vld @!p0 [tilespmem:$0x15420];
	_ =	sdelay $0x7  }
0x3c: {  	[tilespmem:v3+s26+$0x0] =	vst.idx.msk @!p0 $0xffff, v4  }
0x3d: {  	v3 =	vld @!p0 [tilespmem:$0x15430];
	_ =	sdelay $0x7  }
0x3e: {  	[tilespmem:v3+s26+$0x0] =	vst.idx.msk @!p0 $0xffff, v4  }
0x3f: {  	v3 =	vld @!p0 [tilespmem:$0x15440];
	_ =	sdelay $0x6  }
0x40: {  	s28 =	smov.u32 s21;
	s29 =	smov.u32 s20;
	s24 =	sshll.u32 s19, $0x1  }
0x41: {  	s30 =	simm.s32 $0x0;
	s25 =	sor.u32 s2, s24;
	[tilespmem:v3+s26+$0x0] =	vst.idx.msk @!p0 $0xffff, v4;
	s26 =	simm.s32 $0x15380  }
.LBB2_5:
0x42: {  	v3 =	vld [tilespmem:s29+$0x0];
	_ =	sdelay $0x4  }
0x43: {  	vm2 =	vgt.s32 v3, $0x0  }
0x44: {  	v3 =	vnsel vm2, $0x0, v3  }
0x45: {  	v3 =	vmin.u32 v3, $0x4E1F;
	_ =	sdelay $0x4  }
0x46: {  	v3 =	vld.idx.msk [tilespmem:v3+s4+$0x0], $0xffff;
	_ =	sdelay $0x4  }
0x47: {  	[tilespmem:s26+$0x0] =	vst v3  }
0x48: {  	v4 =	vld [tilespmem:s28+$0x0];
	_ =	sdelay $0x2  }
0x49: {  	v5 =	vmov s30  }
0x4a: {  	vm2 =	vlt.u32 v5, v2  }
0x4b: {  	v3 =	vxor.u32 $0x80000000, v3;
	v4 =	vnsel vm2, $0x0, v4  }
0x4c: {  	(xrf1) =	vsort.ascd.msk.u32 $0xffff, v3, v4;
	_ =	sdelay $0xd  }
0x4d: {  	v3, v4, _ =	vpop (xrf1)  }
0x4e: {  	v3 =	vxor.u32 $0x80000000, v3  }
0x4f: {  	[tilespmem:$0x15580] =	vst v3  }
0x50: {  	(xrf2) =	vadd.scan.msk.f32 $0xffff, v4;
	v62 =	vld [tilespmem:$0x15581];
	_ =	sdelay $0x4  }
0x51: {  	vm2 =	vne.s32 v3, v62  }
0x52: {  	vm3 =	vmor vm2, vm0  }
0x53: {  	vm2 =	vmand vm2, vm1  }
0x54: {  	p1 =	sne.s32 s30, $0xC0  }
.Ltmp1:
0x55: {  	_ = 	snop;
	(pc) =	sbr.rel @p1 .LBB2_5-.Ltmp1, $4  }
0x56: {  	v63, _, _ =	vpop (xrf2)  }
0x57: {  	v6 =	vsub.f32 $0.0e+00, v63  }
0x58: {  	s29 =	sadd.s32 $0x10, s29;
	[tilespmem:v3+s12+$0x0] =	vst.idx.add.f32.msk vm3, v63  }
0x59: {  	s30 =	sadd.s32 $0x10, s30;
	s26 =	sadd.s32 $0x10, s26;
	s28 =	sadd.s32 $0x10, s28;
	[tilespmem:v62+s12+$0x0] =	vst.idx.add.f32.msk vm2, v6  }
0x5a: {  	s25 =	sshrl.u32 s25, $0x3  }
0x5b: {  	s26 =	sshll.u32 s19, $0x8;
	s25 =	smul.u32 $0x3AC00, s25  }
0x5c: {  	s26 =	sand.u32 $0x300, s26  }
0x5d: {  	s26 =	sor.u32 s26, s25  }
0x5e: {  	s26 =	sshrl.u32 s26, $0x3  }
0x5f: {  	s26 =	sadd.s32 s5, s26  }
0x60: {  	[hbm4b:s26+s13] =	stream.strided.scatter [tilespmem:s12], [sflag:$0x1], $0x7580, s14, s13, $0x38;
	[tilespmem:$0x15600] =	vst v63  }
0x61: {  	s26 =	simm.s32 @!p0 $0x2  }
0x62: {  	_ =	swait.ge @!p0 [sflag:s26], $0x7580  }
0x63: {  	[sflag:s26] =	ssyncset.done @!p0 $0x0  }
0x64: {  	[sflag:s26] =	ssyncadd.s32 @!p0 $0xFFFF8A80  }
0x65: {  	v3 =	vld @!p0 [tilespmem:$0x15480];
	_ =	sdelay $0x6  }
0x66: {  	v4 =	vimm.f32 @!p0 $0.0e+00;
	s26 =	simm.s32 @!p0 $0xDE00  }
0x67: {  	[tilespmem:v3+s26+$0x0] =	vst.idx.msk @!p0 $0xffff, v4  }
0x68: {  	v3 =	vld @!p0 [tilespmem:$0x15490];
	_ =	sdelay $0x7  }
0x69: {  	[tilespmem:v3+s26+$0x0] =	vst.idx.msk @!p0 $0xffff, v4  }
0x6a: {  	v3 =	vld @!p0 [tilespmem:$0x154A0];
	_ =	sdelay $0x7  }
0x6b: {  	[tilespmem:v3+s26+$0x0] =	vst.idx.msk @!p0 $0xffff, v4  }
0x6c: {  	v3 =	vld @!p0 [tilespmem:$0x154B0];
	_ =	sdelay $0x7  }
0x6d: {  	[tilespmem:v3+s26+$0x0] =	vst.idx.msk @!p0 $0xffff, v4  }
0x6e: {  	v3 =	vld @!p0 [tilespmem:$0x154C0];
	_ =	sdelay $0x7  }
0x6f: {  	[tilespmem:v3+s26+$0x0] =	vst.idx.msk @!p0 $0xffff, v4  }
0x70: {  	v3 =	vld @!p0 [tilespmem:$0x154D0];
	_ =	sdelay $0x7  }
0x71: {  	[tilespmem:v3+s26+$0x0] =	vst.idx.msk @!p0 $0xffff, v4  }
0x72: {  	v3 =	vld @!p0 [tilespmem:$0x154E0];
	_ =	sdelay $0x7  }
0x73: {  	[tilespmem:v3+s26+$0x0] =	vst.idx.msk @!p0 $0xffff, v4  }
0x74: {  	v3 =	vld @!p0 [tilespmem:$0x154F0];
	_ =	sdelay $0x7  }
0x75: {  	[tilespmem:v3+s26+$0x0] =	vst.idx.msk @!p0 $0xffff, v4  }
0x76: {  	v3 =	vld @!p0 [tilespmem:$0x15500];
	_ =	sdelay $0x7  }
0x77: {  	[tilespmem:v3+s26+$0x0] =	vst.idx.msk @!p0 $0xffff, v4  }
0x78: {  	v3 =	vld @!p0 [tilespmem:$0x15510];
	_ =	sdelay $0x7  }
0x79: {  	[tilespmem:v3+s26+$0x0] =	vst.idx.msk @!p0 $0xffff, v4  }
0x7a: {  	v3 =	vld @!p0 [tilespmem:$0x15520];
	_ =	sdelay $0x7  }
0x7b: {  	[tilespmem:v3+s26+$0x0] =	vst.idx.msk @!p0 $0xffff, v4  }
0x7c: {  	v3 =	vld @!p0 [tilespmem:$0x15530];
	_ =	sdelay $0x7  }
0x7d: {  	[tilespmem:v3+s26+$0x0] =	vst.idx.msk @!p0 $0xffff, v4  }
0x7e: {  	v3 =	vld @!p0 [tilespmem:$0x15540];
	_ =	sdelay $0x6  }
0x7f: {  	s24 =	sor.u32 $0x1, s24;
	s28 =	simm.s32 $0x15480  }
0x80: {  	s29 =	smov.u32 s23;
	s30 =	smov.u32 s22;
	[tilespmem:v3+s26+$0x0] =	vst.idx.msk @!p0 $0xffff, v4;
	s26 =	simm.s32 $0x0  }
.LBB2_7:
0x81: {  	v3 =	vld [tilespmem:s30+$0x0];
	_ =	sdelay $0x4  }
0x82: {  	vm2 =	vgt.s32 v3, $0x0  }
0x83: {  	v3 =	vnsel vm2, $0x0, v3  }
0x84: {  	v3 =	vmin.u32 v3, $0x4E1F;
	_ =	sdelay $0x4  }
0x85: {  	v3 =	vld.idx.msk [tilespmem:v3+s4+$0x0], $0xffff;
	_ =	sdelay $0x4  }
0x86: {  	[tilespmem:s28+$0x0] =	vst v3  }
0x87: {  	v4 =	vld [tilespmem:s29+$0x0];
	_ =	sdelay $0x2  }
0x88: {  	v5 =	vmov s26  }
0x89: {  	vm2 =	vlt.u32 v5, v2  }
0x8a: {  	v3 =	vxor.u32 $0x80000000, v3;
	v4 =	vnsel vm2, $0x0, v4  }
0x8b: {  	(xrf1) =	vsort.ascd.msk.u32 $0xffff, v3, v4;
	_ =	sdelay $0xd  }
0x8c: {  	v3, v4, _ =	vpop (xrf1)  }
0x8d: {  	v3 =	vxor.u32 $0x80000000, v3  }
0x8e: {  	[tilespmem:$0x15580] =	vst v3  }
0x8f: {  	(xrf2) =	vadd.scan.msk.f32 $0xffff, v4;
	v62 =	vld [tilespmem:$0x15581];
	_ =	sdelay $0x4  }
0x90: {  	vm2 =	vne.s32 v3, v62  }
0x91: {  	vm3 =	vmor vm2, vm0  }
0x92: {  	vm2 =	vmand vm2, vm1  }
0x93: {  	p0 =	sne.s32 s26, $0xC0  }
.Ltmp2:
0x94: {  	_ = 	snop;
	(pc) =	sbr.rel @p0 .LBB2_7-.Ltmp2, $4  }
0x95: {  	v63, _, _ =	vpop (xrf2)  }
0x96: {  	v6 =	vsub.f32 $0.0e+00, v63  }
0x97: {  	s30 =	sadd.s32 $0x10, s30;
	[tilespmem:v3+s15+$0x0] =	vst.idx.add.f32.msk vm3, v63  }
0x98: {  	s26 =	sadd.s32 $0x10, s26;
	s28 =	sadd.s32 $0x10, s28;
	s29 =	sadd.s32 $0x10, s29;
	[tilespmem:v62+s15+$0x0] =	vst.idx.add.f32.msk vm2, v6  }
0x99: {  	s19 =	sadd.s32 $0x1, s19  }
0x9a: {  	s24 =	sshll.u32 s24, $0x7;
	p0 =	sne.s32 s19, $0x8  }
.Ltmp3:
0x9b: {  	s24 =	sand.u32 $0x380, s24;
	(pc) =	sbr.rel @p0 .LBB2_4-.Ltmp3, $4  }
0x9c: {  	s24 =	sor.u32 s24, s25  }
0x9d: {  	s20 =	sadd.s32 $0x190, s20;
	s21 =	sadd.s32 $0x190, s21;
	s24 =	sshrl.u32 s24, $0x3  }
0x9e: {  	s22 =	sadd.s32 $0x190, s22;
	s23 =	sadd.s32 $0x190, s23;
	s24 =	sadd.s32 s5, s24  }
0x9f: {  	[hbm4b:s24+s13] =	stream.strided.scatter [tilespmem:s15], [sflag:$0x2], $0x7580, s14, s13, $0x38;
	[tilespmem:$0x15600] =	vst v63  }
0xa0: {  	s18 =	sadd.s32 $0x1, s18  }
0xa1: {  	_ =	swait.ge [sflag:s16], $0x7580;
	p0 =	sne.s32 s18, s8  }
.Ltmp4:
0xa2: {  	[sflag:s16] =	ssyncset.done $0x0;
	(pc) =	sbr.rel @p0 .LBB2_1-.Ltmp4, $4  }
0xa3: {  	[sflag:s16] =	ssyncadd.s32 $0xFFFF8A80  }
0xa4: {  	_ =	swait.ge [sflag:s17], $0x7580  }
0xa5: {  	[sflag:s17] =	ssyncset.done $0x0  }
0xa6: {  	[sflag:s17] =	ssyncadd.s32 $0xFFFF8A80  }
0xa7: {  	_ =	sfence.sel $0x180000  }
0xa8: {  	[bflag:$0x0] =	sbarrier.arrive $0xFFFF  }
0xa9: {  	p0 =	sne.s32 s0, $0x0;
	_ =	strace $0x9000004D  }
0xaa: {  	s0 =	sadd.s32 @!p0 $0x100000, s1;
	[bflag:$0x2] =	sbarrier.arrive $0xFFFF  }
0xab: {  	[sflag:s0] =	ssyncadd.tile.s32 @!p0 $0x1;
	_ =	shalt  }
.Lfunc_end2:
_tile_overlayer_lowered:
.L_overlay_start_2:
0xac: {  	(tag) =	ssettag $0x2  }
0xad: {  	s0 =	rddreg [dreg:$0x0];
	s2 =	stileid.u32  }
0xae: {  	s1 =	rddreg [dreg:$0x1];
	p0 =	sne.s32 s2, $0x0  }
0xaf: {  	s3 =	rddreg [dreg:$0x2];
	[bflag:$0x3] =	sbarrier.arrive $0xFFFF;
	s2 =	simm.s32 @!p0 $0x1C03  }
0xb0: {  	[timem:s3], [sflag:s2] =	dma.local @!p0 [hbm:s0], s1  }
0xb1: {  	s0 =	simm.s32 @!p0 $0x3  }
0xb2: {  	_ =	swait.ge @!p0 [sflag:s0], s1  }
0xb3: {  	s1 =	ssub.s32 @!p0 $0x0, s1;
	[sflag:s0] =	ssyncset.done @!p0 $0x0  }
0xb4: {  	[sflag:s0] =	ssyncadd.s32 @!p0 s1  }
0xb5: {  	[bflag:$0x3] =	sbarrier.arrive $0xFFFF  }
0xb6: {  	_ =	shalt  }

// kernel: kernel.8.cloned.1.call-start
scs
__scs_entry_jumppad:
0x0: {  	(pc) =	sbr.rel $0x88, $3  }
0x1: {  	(tag) =	ssettag $0x0;
	lr =	simm.s32 $0x1  }
0x2: {  	[smem:$0x3F98] =	sst lr;
	_ =	strace $0xD0000000  }
0x3: {  	_ = 	snop  }
0x4: {  	_ = 	snop  }
0x5: {  	_ = 	snop  }
0x6: {  	_ = 	snop  }
0x7: {  	_ = 	snop  }
__scs_overlays_trampoline_lowered:
0x8: {  	[smem:$0x3FA7] =	sst s0  }
0x9: {  	[smem:$0x3FA8] =	sst s1  }
0xa: {  	[smem:$0x3FA9] =	sst s2  }
0xb: {  	[smem:$0x3FAA] =	sst s3  }
0xc: {  	[smem:$0x3FAB] =	sst s4  }
0xd: {  	[smem:$0x3FAC] =	sst s5  }
0xe: {  	[smem:$0x3FAD] =	sst s6  }
0xf: {  	[smem:$0x3FAE] =	sst s7  }
0x10: {  	[smem:$0x3FAF] =	sst s8  }
0x11: {  	[smem:$0x3FB0] =	sst s9;
	s0 =	simm.s32 @!p0 $0x0  }
0x12: {  	s1 =	sld [smem:$0x3F96];
	s0 =	simm.s32 @p0 $0x1  }
0x13: {  	[smem:$0x3FB1] =	sst s0;
	s0 =	simm.s32 @!p1 $0x0  }
0x14: {  	s2 =	sld [smem:$0x3F95];
	s0 =	simm.s32 @p1 $0x1  }
0x15: {  	[smem:$0x3FB2] =	sst s0;
	s0 =	simm.s32 @!p2 $0x0  }
0x16: {  	s3 =	sld [smem:$0x3FDB];
	s0 =	simm.s32 @p2 $0x1  }
0x17: {  	s4 =	simm.s32 $0x1BF5;
	[smem:$0x3FB4] =	sst s0  }
0x18: {  	s0 =	sld [smem:$0x3F97];
	_ =	swait.ge [sflag:s4], $0x0  }
0x19: {  	s7 =	sld [smem:$0x3F98]  }
0x1a: {  	s8 =	sadd.s32 $0xFFFFE003, lr  }
0x1b: {  	s9 =	sadd.s32 $0xFFFFFEF7, lr;
	s5 =	simm.s32 $0xFFFFFFFF;
	p2 =	slt.u32 s8, $0xFFFFF086  }
0x1c: {  	p1 =	slt.u32 s9, $0xF7A;
	s5 =	simm.s32 @!p2 $0x0  }
0x1d: {  	s5 =	simm.s32 @p1 $0x1;
	p0 =	seq.s32 s7, s2  }
0x1e: {  	s7 =	smul.u32 @!p0 $0xF7A, s2;
	p2 =	seq.s32 @!p0 s5, $0x0  }
0x1f: {  	s9 =	smul.u32 $0xF7A, s1;
	s8 =	simm.s32 @!p0 $0x1BF5;
	p2 =	por !p2, p0  }
0x20: {  	[sflag:s8] =	ssyncset.s32 @!p0 $0xFFFFF086;
	s6 =	sadd.s32 @!p0 s3, s7;
	s7 =	simm.s32 @!p0 $0x108  }
0x21: {  	s3 =	sadd.s32 s3, s9;
	s6 =	sadd.s32 @!p0 $0x88, s6;
	s7 =	simm.s32 @p2 $0x1082  }
0x22: {  	[simem:s7], [sflag:s8] =	dma.local @!p0 [hbm:s6], $0xF7A  }
0x23: {  	s9 =	sor.u32 $0xD0000000, s2;
	s6 =	simm.s32 $0x108;
	_ =	swait.ge @!p0 [sflag:s8], $0x0  }
0x24: {  	s3 =	sadd.s32 $0x88, s3;
	s6 =	simm.s32 @!p1 $0x1082;
	[sflag:s4] =	ssyncset.s32 $0xFFFFF086  }
0x25: {  	[simem:s6], [sflag:s4] =	dma.local [hbm:s3], $0xF7A  }
0x26: {  	[smem:$0x3F98] =	sst s1;
	(tag) =	ssettag s2;
	_ =	strace s9  }
0x27: {  	s1 =	sld [smem:$0x3FA8]  }
0x28: {  	s2 =	sld [smem:$0x3FA9]  }
0x29: {  	s4 =	sld [smem:$0x3FAB]  }
0x2a: {  	p0 =	seq.s32 s5, $0x0;
	s5 =	sld [smem:$0x3FAC]  }
0x2b: {  	s6 =	sld [smem:$0x3FAD]  }
0x2c: {  	s7 =	sld [smem:$0x3FAE]  }
0x2d: {  	s3 =	simm.s32 $0x108;
	s8 =	sld [smem:$0x3FAF]  }
0x2e: {  	s3 =	simm.s32 @!p0 $0x1082;
	s9 =	sld [smem:$0x3FB0]  }
0x2f: {  	lr =	sadd.s32 s0, s3;
	s0 =	sld [smem:$0x3FA7]  }
0x30: {  	s3 =	sld [smem:$0x3FAA]  }
0x31: {  	[smem:$0x3FB3] =	sst s10  }
0x32: {  	s10 =	sld [smem:$0x3FB1];
	_ =	sdelay $0x3  }
0x33: {  	p0 =	seq.s32 s10, $0x1;
	s10 =	sld [smem:$0x3FB3];
	_ =	sdelay $0x3  }
0x34: {  	[smem:$0x3FB3] =	sst s10  }
0x35: {  	s10 =	sld [smem:$0x3FB2];
	_ =	sdelay $0x3  }
0x36: {  	p1 =	seq.s32 s10, $0x1;
	s10 =	sld [smem:$0x3FB3];
	_ =	sdelay $0x3  }
0x37: {  	[smem:$0x3FB3] =	sst s10  }
0x38: {  	s10 =	sld [smem:$0x3FB4]  }
0x39: {  	_ = 	snop;
	(pc) =	sbr.ind lr, $3  }
0x3a: {  	_ = 	snop  }
0x3b: {  	_ = 	snop  }
0x3c: {  	p2 =	seq.s32 s10, $0x1;
	s10 =	sld [smem:$0x3FB3]  }
0x3d: {  	_ =	shalt  }
0x3e: {  	_ =	shalt  }
0x3f: {  	_ =	shalt  }
0x40: {  	_ =	shalt  }
0x41: {  	_ =	shalt  }
0x42: {  	_ =	shalt  }
0x43: {  	_ =	shalt  }
0x44: {  	_ =	shalt  }
0x45: {  	_ =	shalt  }
0x46: {  	_ =	shalt  }
0x47: {  	_ =	shalt  }
0x48: {  	_ =	shalt  }
0x49: {  	_ =	shalt  }
0x4a: {  	_ =	shalt  }
0x4b: {  	_ =	shalt  }
0x4c: {  	_ =	shalt  }
0x4d: {  	_ =	shalt  }
0x4e: {  	_ =	shalt  }
0x4f: {  	_ =	shalt  }
0x50: {  	_ =	shalt  }
0x51: {  	_ =	shalt  }
0x52: {  	_ =	shalt  }
0x53: {  	_ =	shalt  }
0x54: {  	_ =	shalt  }
0x55: {  	_ =	shalt  }
0x56: {  	_ =	shalt  }
0x57: {  	_ =	shalt  }
0x58: {  	_ =	shalt  }
0x59: {  	_ =	shalt  }
0x5a: {  	_ =	shalt  }
0x5b: {  	_ =	shalt  }
0x5c: {  	_ =	shalt  }
0x5d: {  	_ =	shalt  }
0x5e: {  	_ =	shalt  }
0x5f: {  	_ =	shalt  }
0x60: {  	_ =	shalt  }
0x61: {  	_ =	shalt  }
0x62: {  	_ =	shalt  }
0x63: {  	_ =	shalt  }
0x64: {  	_ =	shalt  }
0x65: {  	_ =	shalt  }
0x66: {  	_ =	shalt  }
0x67: {  	_ =	shalt  }
0x68: {  	_ =	shalt  }
0x69: {  	_ =	shalt  }
0x6a: {  	_ =	shalt  }
0x6b: {  	_ =	shalt  }
0x6c: {  	_ =	shalt  }
0x6d: {  	_ =	shalt  }
0x6e: {  	_ =	shalt  }
0x6f: {  	_ =	shalt  }
0x70: {  	_ =	shalt  }
0x71: {  	_ =	shalt  }
0x72: {  	_ =	shalt  }
0x73: {  	_ =	shalt  }
0x74: {  	_ =	shalt  }
0x75: {  	_ =	shalt  }
0x76: {  	_ =	shalt  }
0x77: {  	_ =	shalt  }
0x78: {  	_ =	shalt  }
0x79: {  	_ =	shalt  }
0x7a: {  	_ =	shalt  }
0x7b: {  	_ =	shalt  }
0x7c: {  	_ =	shalt  }
0x7d: {  	_ =	shalt  }
0x7e: {  	_ =	shalt  }
0x7f: {  	_ =	shalt  }
0x80: {  	_ =	shalt  }
0x81: {  	_ =	shalt  }
0x82: {  	_ =	shalt  }
0x83: {  	_ =	shalt  }
0x84: {  	_ =	shalt  }
0x85: {  	_ =	shalt  }
0x86: {  	_ =	shalt  }
0x87: {  	_ =	shalt  }
.Lfunc_end0:
.L_simem_size_0:
called_computation_lowered:
.L_overlay_start_0:
0x88: {  	s2 =	sld [smem:$0x3FD9]  }
0x89: {  	s3 =	sld [smem:$0x3FFE];
	_ =	sdelay $0x1  }
0x8a: {  	s1 =	srdreg.scid  }
0x8b: {  	s0 =	sand.u32 $0x1, s1  }
0x8c: {  	s17 =	sshll.u32 s0, $0xA;
	s2 =	sadd.s32 s3, s2  }
0x8d: {  	s2 =	sadd.s32 s2, s17  }
0x8e: {  	[smem:$0x3FBF] =	sst s2  }
0x8f: {  	_ = 	snop  }
0x90: {  	s2 =	sld [smem:$0x3FC4]  }
0x91: {  	s18 =	sld [smem:$0x3FC3]  }
0x92: {  	s4 =	sld [smem:$0x3FC2]  }
0x93: {  	s5 =	sld [smem:$0x3FD0];
	(tm) =	ssettm $0x1  }
0x94: {  	s6 =	sld [smem:$0x3FFB];
	_ =	sdelay $0x3  }
0x95: {  	_ =	strace s6  }
0x96: {  	s6 =	sld [smem:$0x3FFC];
	_ =	sdelay $0x3  }
0x97: {  	_ =	strace s6  }
0x98: {  	s6 =	sld [smem:$0x3FFD];
	_ =	sdelay $0x3  }
0x99: {  	_ =	strace s6  }
0x9a: {  	_ =	strace $0x8FFFFFFF  }
0x9b: {  	s19 =	sld [smem:$0x3FDB];
	_ =	sdelay $0x1  }
0x9c: {  	s7 =	simm.s32 $_scs_section_size  }
0x9d: {  	s8 =	simm.s32 $_size__tile_overlayer_lowered;
	s9 =	simm.s32 $_tile_overlayer_lowered  }
0x9e: {  	s22 =	simm.s32 $0x1BFF;
	s21 =	sshll.u32 s9, $0x1;
	s6 =	sadd.s32 s7, s19  }
0x9f: {  	s10 =	simm.s32 $0x0;
	s20 =	sshll.u32 s8, $0x1;
	s8 =	sadd.s32 s21, s6  }
0xa0: {  	[timem:s10], [sflag:s22] =	dma.local [hbm:s8], s20  }
0xa1: {  	_ =	swait.ge [sflag:s22], s20  }
0xa2: {  	s7 =	ssub.s32 $0x0, s20;
	[sflag:s22] =	ssyncset.done $0x0  }
0xa3: {  	[sflag:s22] =	ssyncadd.s32 s7;
	_ =	sdelay $0x1  }
0xa4: {  	s23 =	simm.s32 $0x1B8B  }
0xa5: {  	_ =	swait.ge [sflag:s23], $0x1  }
0xa6: {  	[sflag:s23] =	ssyncset.done $0x0  }
0xa7: {  	s25 =	simm.s32 $0x1B8E;
	s24 =	sld [smem:$0x3FFE];
	[sflag:s23] =	ssyncadd.s32 $0xFFFFFFFF  }
0xa8: {  	s26 =	simm.s32 $execute0_lowered;
	[smem:$0x3FD2] =	sst s25  }
0xa9: {  	s8 =	sshll.u32 s26, $0x1;
	_ =	strace $0x80000046;
	[dreg:$0x1] =	wrdreg $0xFFFFFFFF  }
0xaa: {  	s28 =	simm.s32 $_size_execute0_lowered;
	s6 =	sadd.s32 s6, s8;
	[dreg:$0x0] =	wrdreg $0x0  }
0xab: {  	s8 =	sshll.u32 s28, $0x1;
	[dreg:$0x2] =	wrdreg s6  }
0xac: {  	[dreg:$0x3] =	wrdreg s8  }
0xad: {  	[dreg:$0x4] =	wrdreg $0xC0  }
0xae: {  	_ =	task [dreg:s10], $0x5FFFF  }
0xaf: {  	[dreg:$0x1] =	wrdreg $0xFFFFFFFF  }
0xb0: {  	[dreg:$0x0] =	wrdreg $0x60  }
0xb1: {  	[dreg:$0x2] =	wrdreg s2  }
0xb2: {  	[dreg:$0x3] =	wrdreg s4  }
0xb3: {  	[dreg:$0x4] =	wrdreg s18  }
0xb4: {  	[dreg:$0x5] =	wrdreg s24  }
0xb5: {  	[dreg:$0x6] =	wrdreg s5  }
0xb6: {  	[dreg:$0x7] =	wrdreg $0x9  }
0xb7: {  	_ =	task.clear_ibuf [dreg:s10], $0x8FFFF;
	_ =	strace $0x90000046  }
0xb8: {  	s29 =	simm.s32 $0x9;
	_ =	strace $0x80000048  }
0xb9: {  	_ =	swait.ge [sflag:s29], $0x1  }
0xba: {  	[sflag:s29] =	ssyncadd.s32 $0xFFFFFFFF  }
0xbb: {  	_ =	strace $0x90000048  }
0xbc: {  	_ =	sfence  }
0xbd: {  	s30 =	sld [smem:$0x0];
	_ =	sdelay $0x2  }
0xbe: {  	s31 =	sshll.u32 s1, $0xD;
	s1 =	sshrl.u32 s1, $0x2  }
0xbf: {  	s3 =	sand.u32 $0x4000, s31;
	s1 =	sadd.s32 s1, s30  }
0xc0: {  	s0 =	sor.u32 s3, s0;
	s1 =	sshll.u32 s1, $0x11  }
0xc1: {  	s0 =	sor.u32 s1, s0  }
0xc2: {  	s0 =	sadd.s32 $0x8F2B, s0  }
0xc3: {  	[sflag:s0] =	ssyncadd.remote.s32 $0x1  }
0xc4: {  	_ =	sfence.sel $0xFFFF  }
0xc5: {  	[dreg:$0x0] =	wrdreg $0xFFFFFFFF;
	(pc) =	sbr.abs _section_cstart, $3  }
0xc6: {  	[dreg:$0x1] =	wrdreg $0xFFFFFFFF  }
0xc7: {  	_ =	task.clear_ibuf [dreg:s10], $0x2FFFF;
	_ =	strace $0x9FFFFFFF  }
0xc8: {  	(tm) =	ssettm $0x7FFFFFFF  }
0xc9: {  	_ =	shalt  }
tec
execute0_lowered:
.L_overlay_start_1:
0x0: {  	(tag) =	ssettag $0x1  }
0x1: {  	s1 =	rddreg [dreg:$0x0]  }
0x2: {  	s2 =	rddreg [dreg:$0x1]  }
0x3: {  	s0 =	rddreg [dreg:$0x3];
	s3 =	srdreg.scid;
	s6 =	simm.s32 $0x0  }
0x4: {  	s7 =	stileid.u32;
	s14 =	simm.s32 $0x2;
	s15 =	simm.s32 $0x80  }
0x5: {  	s16 =	simm.s32 $0x880;
	s17 =	simm.s32 $0x1080;
	s18 =	simm.s32 $0x1880  }
0x6: {  	s19 =	simm.s32 $0x2080;
	s20 =	simm.s32 $0x2880;
	s21 =	simm.s32 $0x3080  }
0x7: {  	s22 =	simm.s32 $0x3880;
	s28 =	simm.s32 $0x6080;
	s29 =	simm.s32 $0x6880  }
0x8: {  	s30 =	simm.s32 $0x7080;
	s31 =	simm.s32 $0x7880;
	s3 =	sand.u32 $0x1, s3  }
0x9: {  	[smem:$0x7FF] =	sst s6;
	s8 =	sshll.u32 s7, $0x1;
	s7 =	sadd.s32 $0x1C00, s0  }
0xa: {  	s24 =	sadd.s32 $0xEA0, s2;
	s25 =	sadd.s32 $0xEA000, s1;
	s4 =	ssub.s32 $0x2, s3  }
0xb: {  	_ =	strace $0x80000047;
	s8 =	sor.u32 s3, s8;
	[dreg:$0x6] =	wrdreg s24  }
0xc: {  	[dreg:$0x7] =	wrdreg s25;
	s24 =	simm.s32 $0x4880;
	s25 =	simm.s32 $0x5080  }
.Ltmp0:
0xd: {  	s5 =	sshrl.u32 s4, $0x1;
	s26 =	sadd.s32 $0xFFFFFFFF, s8;
	(pc) =	sbr.rel .LBB2_1-.Ltmp0, $4  }
0xe: {  	p0 =	seq.s32 s8, $0x0;
	p1 =	sne.s32 s8, $0x1F;
	s23 =	ssub.s32 s4, s5  }
0xf: {  	v2 =	vlaneseq.u32;
	s10 =	sshll.u32 s26, $0x4;
	s9 =	sshll.u32 s26, $0xC;
	s26 =	simm.s32 $0x5880  }
0x10: {  	vm0 =	vmmov $0xffff;
	v1 =	vshrl.u32 v2, $0x3;
	v0 =	vand.u32 $0x7, v2;
	s4 =	simm.s32 $0x16C00;
	s5 =	simm.s32 $0x0;
	s0 =	smax.u32 s23, $0x1  }
0x11: {  	v2 =	vor.u32 $0x8, v2;
	v1 =	vmul.u32 $0x8, v1;
	vm1 =	vmmov @!p1 $0xffff;
	s23 =	simm.s32 $0x4080;
	[dreg:$0x8] =	wrdreg s0;
	s0 =	simm.s32 $0x1  }
.LBB2_5:
.Ltmp1:
0x12: {  	(pc) =	sbr.rel @p0 .LBB2_7-.Ltmp1, $1  }
0x13: {  	_ =	sdelay $0x3  }
0x14: {  	s3 =	simm.s32 @!p1 $0x0;
	s11 =	simm.s32 @!p1 $0x8080;
	s12 =	rddreg [dreg:$0x6]  }
0x15: {  	[tilespmem:s11], [sflag:$0x1] =	stream.linear.gather @!p1 [hbm4b:s12+s3], $0x30, $0x38;
	[tilespmem:$0x1E180] =	vst v63  }
0x16: {  	s11 =	simm.s32 @!p1 $0x1  }
0x17: {  	_ =	swait.ge @!p1 [sflag:s11], $0x30  }
0x18: {  	[sflag:s11] =	ssyncset.done @!p1 $0x0  }
0x19: {  	s12 =	simm.s32 @!p1 $0x80;
	s13 =	rddreg [dreg:$0x7];
	[sflag:s11] =	ssyncadd.s32 @!p1 $0xFFFFFFD0  }
0x1a: {  	[tilespmem:s12], [sflag:$0x1] =	stream.linear.gather @!p1 [hbm4b:s13+s3], $0x3000, $0x38;
	[tilespmem:$0x1E180] =	vst v63  }
0x1b: {  	_ =	swait.ge @!p1 [sflag:s11], $0x3000  }
0x1c: {  	[sflag:s11] =	ssyncset.done @!p1 $0x0  }
0x1d: {  	[sflag:s11] =	ssyncadd.s32 @!p1 $0xFFFFD000  }
0x1e: {  	v3 =	vld @!p1 [tilespmem:$0x8080];
	_ =	sdelay $0x4  }
0x1f: {  	v4 =	vshll.u32 @!p1 v3, $0x1  }
0x20: {  	v5 =	vlaneseq.u32 @!p1;
	v3 =	vand.u32 @!p1 $0x7, v3;
	v4 =	vand.u32 @!p1 $0xFFFFFFF0, v4  }
0x21: {  	v6 =	vshrl.u32 @!p1 v5, $0x3;
	v3 =	vor.u32 @!p1 v3, v4;
	v4 =	vand.u32 @!p1 $0x7, v5  }
0x22: {  	v6 =	vmul.u32 @!p1 $0x8, v6;
	v7 =	vperm.xlane @!p1 v3, v4  }
0x23: {  	v5 =	vor.u32 @!p1 $0x8, v5  }
0x24: {  	v3 =	vperm.xlane @!p1 v3, v5;
	v7 =	vadd.s32 @!p1 v6, v7;
	_ =	sdelay $0x1  }
0x25: {  	v3 =	vadd.s32 @!p1 v6, v3;
	_ =	sdelay $0x2  }
0x26: {  	[hbm4b:s7+s3] =	stream.indirect_vreg.scatter @!p1 [tilespmem:s12], [sflag:$0x1], $0x80, v7, vm1, $0xb8;
	[tilespmem:$0x1E180] =	vst v63  }
0x27: {  	s12 =	simm.s32 @!p1 $0x880  }
0x28: {  	[hbm4b:s7+s3] =	stream.indirect_vreg.scatter @!p1 [tilespmem:s12], [sflag:$0x1], $0x80, v3, vm1, $0xb8;
	[tilespmem:$0x1E180] =	vst v63  }
0x29: {  	v3 =	vld @!p1 [tilespmem:$0x8090];
	_ =	sdelay $0x4  }
0x2a: {  	v7 =	vshll.u32 @!p1 v3, $0x1  }
0x2b: {  	v3 =	vand.u32 @!p1 $0x7, v3;
	v7 =	vand.u32 @!p1 $0xFFFFFFF0, v7  }
0x2c: {  	v3 =	vor.u32 @!p1 v3, v7  }
0x2d: {  	v7 =	vperm.xlane @!p1 v3, v4;
	_ =	sdelay $0x1  }
0x2e: {  	v3 =	vperm.xlane @!p1 v3, v5;
	v7 =	vadd.s32 @!p1 v6, v7;
	_ =	sdelay $0x1  }
0x2f: {  	v3 =	vadd.s32 @!p1 v6, v3;
	_ =	sdelay $0x1  }
0x30: {  	s12 =	simm.s32 @!p1 $0x1080  }
0x31: {  	[hbm4b:s7+s3] =	stream.indirect_vreg.scatter @!p1 [tilespmem:s12], [sflag:$0x1], $0x80, v7, vm1, $0xb8;
	[tilespmem:$0x1E180] =	vst v63  }
0x32: {  	s12 =	simm.s32 @!p1 $0x1880  }
0x33: {  	[hbm4b:s7+s3] =	stream.indirect_vreg.scatter @!p1 [tilespmem:s12], [sflag:$0x1], $0x80, v3, vm1, $0xb8;
	[tilespmem:$0x1E180] =	vst v63  }
0x34: {  	v3 =	vld @!p1 [tilespmem:$0x80A0];
	_ =	sdelay $0x4  }
0x35: {  	v7 =	vshll.u32 @!p1 v3, $0x1  }
0x36: {  	v3 =	vand.u32 @!p1 $0x7, v3;
	v7 =	vand.u32 @!p1 $0xFFFFFFF0, v7  }
0x37: {  	v3 =	vor.u32 @!p1 v3, v7  }
0x38: {  	v4 =	vperm.xlane @!p1 v3, v4;
	_ =	sdelay $0x1  }
0x39: {  	v3 =	vperm.xlane @!p1 v3, v5;
	v4 =	vadd.s32 @!p1 v6, v4;
	_ =	sdelay $0x1  }
0x3a: {  	v3 =	vadd.s32 @!p1 v6, v3;
	_ =	sdelay $0x1  }
0x3b: {  	s12 =	simm.s32 @!p1 $0x2080  }
0x3c: {  	[hbm4b:s7+s3] =	stream.indirect_vreg.scatter @!p1 [tilespmem:s12], [sflag:$0x1], $0x80, v4, vm1, $0xb8;
	[tilespmem:$0x1E180] =	vst v63  }
0x3d: {  	s12 =	simm.s32 @!p1 $0x2880  }
0x3e: {  	[hbm4b:s7+s3] =	stream.indirect_vreg.scatter @!p1 [tilespmem:s12], [sflag:$0x1], $0x80, v3, vm1, $0xb8;
	[tilespmem:$0x1E180] =	vst v63  }
0x3f: {  	_ =	swait.ge @!p1 [sflag:s11], $0x3000  }
0x40: {  	[sflag:s11] =	ssyncset.done @!p1 $0x0  }
0x41: {  	[sflag:s11] =	ssyncadd.s32 @!p1 $0xFFFFD000  }
.LBB2_10:
0x42: {  	s5 =	sadd.s32 $0x1, s5;
	s3 =	rddreg [dreg:$0x8]  }
0x43: {  	p2 =	sne.s32 s5, s3  }
.Ltmp2:
0x44: {  	_ = 	snop;
	(pc) =	sbr.rel @!p2 .LBB2_11-.Ltmp2, $1  }
0x45: {  	_ =	sdelay $0x3  }
.LBB2_1:
.Ltmp3:
0x46: {  	(pc) =	sbr.rel .LBB2_2-.Ltmp3, $2  }
0x47: {  	_ =	sdelay $0x2  }
0x48: {  	s3 =	simm.s32 $0xFFFFFFFF;
	s13 =	smov.u32 s9;
	s12 =	smov.u32 s10  }
.LBB2_4:
0x49: {  	s3 =	sadd.s32 $0x1F, s3  }
0x4a: {  	p2 =	sne.s32 s3, $0xF7  }
.Ltmp4:
0x4b: {  	_ = 	snop;
	(pc) =	sbr.rel @!p2 .LBB2_5-.Ltmp4, $2  }
0x4c: {  	_ =	sdelay $0x2  }
0x4d: {  	s12 =	sadd.s32 $0x1F0, s12;
	s13 =	sadd.s32 $0x1F000, s13  }
.LBB2_2:
0x4e: {  	s11 =	sadd.s32 s3, s8  }
0x4f: {  	p2 =	sgt.s32 @!p0 s11, $0xE9  }
0x50: {  	p2 =	por p0, p2  }
.Ltmp5:
0x51: {  	_ = 	snop;
	(pc) =	sbr.rel @p2 .LBB2_4-.Ltmp5, $1  }
0x52: {  	_ =	sdelay $0x3  }
0x53: {  	s11 =	sand.u32 $0x1FFFFFF0, s12  }
0x54: {  	s11 =	sadd.s32 s2, s11  }
0x55: {  	[tilespmem:s6], [sflag:$0x2] =	stream.linear.gather [hbm4b:s11+s6], $0x80, $0x38;
	[tilespmem:$0x1E180] =	vst v63  }
0x56: {  	_ =	swait.ge [sflag:s14], $0x80  }
0x57: {  	s11 =	sand.u32 $0x1FFFF000, s13;
	[sflag:s14] =	ssyncset.done $0x0  }
0x58: {  	s11 =	sadd.s32 s1, s11;
	[sflag:s14] =	ssyncadd.s32 $0xFFFFFF80  }
0x59: {  	[tilespmem:s15], [sflag:$0x2] =	stream.linear.gather [hbm4b:s11+s6], $0x8000, $0x38;
	[tilespmem:$0x1E180] =	vst v63  }
0x5a: {  	_ =	swait.ge [sflag:s14], $0x8000  }
0x5b: {  	[sflag:s14] =	ssyncset.done $0x0  }
0x5c: {  	[sflag:s14] =	ssyncadd.s32 $0xFFFF8000  }
0x5d: {  	v3 =	vld [tilespmem:$0x0];
	_ =	sdelay $0x4  }
0x5e: {  	v4 =	vshll.u32 v3, $0x1  }
0x5f: {  	v3 =	vand.u32 $0x7, v3;
	v4 =	vand.u32 $0xFFFFFFF0, v4  }
0x60: {  	v3 =	vor.u32 v3, v4  }
0x61: {  	v4 =	vperm.xlane v3, v0;
	_ =	sdelay $0x1  }
0x62: {  	v3 =	vperm.xlane v3, v2;
	v4 =	vadd.s32 v1, v4;
	_ =	sdelay $0x1  }
0x63: {  	v3 =	vadd.s32 v1, v3;
	_ =	sdelay $0x2  }
0x64: {  	[hbm4b:s7+s6] =	stream.indirect_vreg.scatter [tilespmem:s15], [sflag:$0x1], $0x80, v4, vm0, $0xb8;
	[tilespmem:$0x1E180] =	vst v63  }
0x65: {  	_ = 	snop  }
0x66: {  	[hbm4b:s7+s6] =	stream.indirect_vreg.scatter [tilespmem:s16], [sflag:$0x1], $0x80, v3, vm0, $0xb8;
	[tilespmem:$0x1E180] =	vst v63  }
0x67: {  	v3 =	vld [tilespmem:$0x10];
	_ =	sdelay $0x4  }
0x68: {  	v57 =	vshll.u32 v3, $0x1  }
0x69: {  	v3 =	vand.u32 $0x7, v3;
	v4 =	vand.u32 $0xFFFFFFF0, v57  }
0x6a: {  	v3 =	vor.u32 v3, v4  }
0x6b: {  	v4 =	vperm.xlane v3, v0;
	_ =	sdelay $0x1  }
0x6c: {  	v3 =	vperm.xlane v3, v2;
	v4 =	vadd.s32 v1, v4;
	_ =	sdelay $0x1  }
0x6d: {  	v3 =	vadd.s32 v1, v3;
	_ =	sdelay $0x2  }
0x6e: {  	[hbm4b:s7+s6] =	stream.indirect_vreg.scatter [tilespmem:s17], [sflag:$0x1], $0x80, v4, vm0, $0xb8;
	[tilespmem:$0x1E180] =	vst v63  }
0x6f: {  	_ = 	snop  }
0x70: {  	[hbm4b:s7+s6] =	stream.indirect_vreg.scatter [tilespmem:s18], [sflag:$0x1], $0x80, v3, vm0, $0xb8;
	[tilespmem:$0x1E180] =	vst v63  }
0x71: {  	v3 =	vld [tilespmem:$0x20];
	_ =	sdelay $0x4  }
0x72: {  	v58 =	vshll.u32 v3, $0x1  }
0x73: {  	v3 =	vand.u32 $0x7, v3;
	v4 =	vand.u32 $0xFFFFFFF0, v58  }
0x74: {  	v3 =	vor.u32 v3, v4  }
0x75: {  	v4 =	vperm.xlane v3, v0;
	_ =	sdelay $0x1  }
0x76: {  	v3 =	vperm.xlane v3, v2;
	v4 =	vadd.s32 v1, v4;
	_ =	sdelay $0x1  }
0x77: {  	v3 =	vadd.s32 v1, v3;
	_ =	sdelay $0x2  }
0x78: {  	[hbm4b:s7+s6] =	stream.indirect_vreg.scatter [tilespmem:s19], [sflag:$0x1], $0x80, v4, vm0, $0xb8;
	[tilespmem:$0x1E180] =	vst v63  }
0x79: {  	_ = 	snop  }
0x7a: {  	[hbm4b:s7+s6] =	stream.indirect_vreg.scatter [tilespmem:s20], [sflag:$0x1], $0x80, v3, vm0, $0xb8;
	[tilespmem:$0x1E180] =	vst v63  }
0x7b: {  	v3 =	vld [tilespmem:$0x30];
	_ =	sdelay $0x4  }
0x7c: {  	v59 =	vshll.u32 v3, $0x1  }
0x7d: {  	v3 =	vand.u32 $0x7, v3;
	v4 =	vand.u32 $0xFFFFFFF0, v59  }
0x7e: {  	v3 =	vor.u32 v3, v4  }
0x7f: {  	v4 =	vperm.xlane v3, v0;
	_ =	sdelay $0x1  }
0x80: {  	v3 =	vperm.xlane v3, v2;
	v4 =	vadd.s32 v1, v4;
	_ =	sdelay $0x1  }
0x81: {  	v3 =	vadd.s32 v1, v3;
	_ =	sdelay $0x2  }
0x82: {  	[hbm4b:s7+s6] =	stream.indirect_vreg.scatter [tilespmem:s21], [sflag:$0x1], $0x80, v4, vm0, $0xb8;
	[tilespmem:$0x1E180] =	vst v63  }
0x83: {  	_ = 	snop  }
0x84: {  	[hbm4b:s7+s6] =	stream.indirect_vreg.scatter [tilespmem:s22], [sflag:$0x1], $0x80, v3, vm0, $0xb8;
	[tilespmem:$0x1E180] =	vst v63  }
0x85: {  	v3 =	vld [tilespmem:$0x40];
	_ =	sdelay $0x4  }
0x86: {  	v60 =	vshll.u32 v3, $0x1  }
0x87: {  	v3 =	vand.u32 $0x7, v3;
	v4 =	vand.u32 $0xFFFFFFF0, v60  }
0x88: {  	v3 =	vor.u32 v3, v4  }
0x89: {  	v4 =	vperm.xlane v3, v0;
	_ =	sdelay $0x1  }
0x8a: {  	v3 =	vperm.xlane v3, v2;
	v4 =	vadd.s32 v1, v4;
	_ =	sdelay $0x1  }
0x8b: {  	v3 =	vadd.s32 v1, v3;
	_ =	sdelay $0x2  }
0x8c: {  	[hbm4b:s7+s6] =	stream.indirect_vreg.scatter [tilespmem:s23], [sflag:$0x1], $0x80, v4, vm0, $0xb8;
	[tilespmem:$0x1E180] =	vst v63  }
0x8d: {  	_ = 	snop  }
0x8e: {  	[hbm4b:s7+s6] =	stream.indirect_vreg.scatter [tilespmem:s24], [sflag:$0x1], $0x80, v3, vm0, $0xb8;
	[tilespmem:$0x1E180] =	vst v63  }
0x8f: {  	v3 =	vld [tilespmem:$0x50];
	_ =	sdelay $0x4  }
0x90: {  	v61 =	vshll.u32 v3, $0x1  }
0x91: {  	v3 =	vand.u32 $0x7, v3;
	v4 =	vand.u32 $0xFFFFFFF0, v61  }
0x92: {  	v3 =	vor.u32 v3, v4  }
0x93: {  	v4 =	vperm.xlane v3, v0;
	_ =	sdelay $0x1  }
0x94: {  	v3 =	vperm.xlane v3, v2;
	v4 =	vadd.s32 v1, v4;
	_ =	sdelay $0x1  }
0x95: {  	v3 =	vadd.s32 v1, v3;
	_ =	sdelay $0x2  }
0x96: {  	[hbm4b:s7+s6] =	stream.indirect_vreg.scatter [tilespmem:s25], [sflag:$0x1], $0x80, v4, vm0, $0xb8;
	[tilespmem:$0x1E180] =	vst v63  }
0x97: {  	_ = 	snop  }
0x98: {  	[hbm4b:s7+s6] =	stream.indirect_vreg.scatter [tilespmem:s26], [sflag:$0x1], $0x80, v3, vm0, $0xb8;
	[tilespmem:$0x1E180] =	vst v63  }
0x99: {  	v3 =	vld [tilespmem:$0x60];
	_ =	sdelay $0x4  }
0x9a: {  	v62 =	vshll.u32 v3, $0x1  }
0x9b: {  	v3 =	vand.u32 $0x7, v3;
	v4 =	vand.u32 $0xFFFFFFF0, v62  }
0x9c: {  	v3 =	vor.u32 v3, v4  }
0x9d: {  	v4 =	vperm.xlane v3, v0;
	_ =	sdelay $0x1  }
0x9e: {  	v3 =	vperm.xlane v3, v2;
	v4 =	vadd.s32 v1, v4;
	_ =	sdelay $0x1  }
0x9f: {  	v3 =	vadd.s32 v1, v3;
	_ =	sdelay $0x2  }
0xa0: {  	[hbm4b:s7+s6] =	stream.indirect_vreg.scatter [tilespmem:s28], [sflag:$0x1], $0x80, v4, vm0, $0xb8;
	[tilespmem:$0x1E180] =	vst v63  }
0xa1: {  	_ = 	snop  }
0xa2: {  	[hbm4b:s7+s6] =	stream.indirect_vreg.scatter [tilespmem:s29], [sflag:$0x1], $0x80, v3, vm0, $0xb8;
	[tilespmem:$0x1E180] =	vst v63  }
0xa3: {  	v3 =	vld [tilespmem:$0x70];
	_ =	sdelay $0x4  }
0xa4: {  	v63 =	vshll.u32 v3, $0x1  }
0xa5: {  	v3 =	vand.u32 $0x7, v3;
	v4 =	vand.u32 $0xFFFFFFF0, v63  }
0xa6: {  	v3 =	vor.u32 v3, v4  }
0xa7: {  	v4 =	vperm.xlane v3, v0;
	_ =	sdelay $0x1  }
0xa8: {  	v3 =	vperm.xlane v3, v2;
	v4 =	vadd.s32 v1, v4;
	_ =	sdelay $0x1  }
0xa9: {  	v3 =	vadd.s32 v1, v3;
	_ =	sdelay $0x2  }
0xaa: {  	[hbm4b:s7+s6] =	stream.indirect_vreg.scatter [tilespmem:s30], [sflag:$0x1], $0x80, v4, vm0, $0xb8;
	[tilespmem:$0x1E180] =	vst v63  }
.Ltmp6:
0xab: {  	_ = 	snop;
	(pc) =	sbr.rel .LBB2_4-.Ltmp6, $4  }
0xac: {  	[hbm4b:s7+s6] =	stream.indirect_vreg.scatter [tilespmem:s31], [sflag:$0x1], $0x80, v3, vm0, $0xb8;
	[tilespmem:$0x1E180] =	vst v63  }
0xad: {  	_ =	swait.ge [sflag:s0], $0x8000  }
0xae: {  	[sflag:s0] =	ssyncset.done $0x0  }
0xaf: {  	[sflag:s0] =	ssyncadd.s32 $0xFFFF8000  }
.LBB2_7:
0xb0: {  	s3 =	simm.s32 $0x0;
	s11 =	simm.s32 $0x8100  }
0xb1: {  	[tilespmem:s11], [sflag:$0x1] =	stream.linear.gather [hbm4b:s2+s3], $0x7580, $0x38;
	[tilespmem:$0x1E180] =	vst v63  }
0xb2: {  	_ =	swait.ge [sflag:s0], $0x7580  }
0xb3: {  	[sflag:s0] =	ssyncset.done $0x0  }
0xb4: {  	[sflag:s0] =	ssyncadd.s32 $0xFFFF8A80  }
0xb5: {  	s12 =	simm.s32 $0xF680;
	s13 =	rddreg [dreg:$0x2]  }
0xb6: {  	[tilespmem:s12], [sflag:$0x1] =	stream.linear.gather [hbm4b:s13+s3], $0x7580, $0x38;
	[tilespmem:$0x1E180] =	vst v63  }
0xb7: {  	_ =	swait.ge [sflag:s0], $0x7580  }
0xb8: {  	[sflag:s0] =	ssyncset.done $0x0  }
0xb9: {  	s12 =	simm.s32 $0x0;
	s3 =	simm.s32 $0x40;
	[sflag:s0] =	ssyncadd.s32 $0xFFFF8A80  }
.LBB2_8:
0xba: {  	p2 =	sne.s32 s3, $0x1D480;
	v3 =	vld [tilespmem:s12+$0x8100];
	_ =	sdelay $0x2  }
0xbb: {  	v4 =	vld [tilespmem:s12+$0xF680]  }
.Ltmp7:
0xbc: {  	(pc) =	sbr.rel @p2 .LBB2_8-.Ltmp7, $2  }
0xbd: {  	_ =	sdelay $0x2  }
0xbe: {  	s12 =	sshra.s32 s3, $0x2;
	s3 =	sadd.s32 $0x40, s3;
	[tilespmem:v3+s4+$0x0] =	vst.idx.msk $0xffff, v4  }
0xbf: {  	v3 =	vld [tilespmem:s12+$0x8100];
	_ =	sdelay $0x2  }
0xc0: {  	v4 =	vld [tilespmem:s12+$0xF680];
	_ =	sdelay $0x4  }
.Ltmp8:
0xc1: {  	s3 =	rddreg [dreg:$0x4];
	[tilespmem:v3+s4+$0x0] =	vst.idx.msk $0xffff, v4;
	(pc) =	sbr.rel .LBB2_10-.Ltmp8, $4  }
0xc2: {  	[hbm4b:s3+s6] =	stream.linear.scatter [tilespmem:s4], [sflag:$0x1], $0x7580, $0x38;
	[tilespmem:$0x1E180] =	vst v63  }
0xc3: {  	_ =	swait.ge [sflag:s0], $0x7580  }
0xc4: {  	[sflag:s0] =	ssyncset.done $0x0  }
0xc5: {  	[sflag:s0] =	ssyncadd.s32 $0xFFFF8A80  }
.LBB2_11:
0xc6: {  	_ =	sfence.sel $0x180000  }
0xc7: {  	[bflag:$0x0] =	sbarrier.arrive $0xFFFF  }
0xc8: {  	_ =	strace $0x90000047  }
0xc9: {  	s0 =	stileid.u32;
	[bflag:$0x2] =	sbarrier.arrive $0xFFFF  }
0xca: {  	p0 =	sne.s32 s0, $0x0;
	s0 =	rddreg [dreg:$0x5]  }
0xcb: {  	s0 =	sadd.s32 @!p0 $0x100000, s0  }
0xcc: {  	[sflag:s0] =	ssyncadd.tile.s32 @!p0 $0x1;
	_ =	shalt  }
.Lfunc_end2:
_tile_overlayer_lowered:
.L_overlay_start_2:
0xcd: {  	(tag) =	ssettag $0x2  }
0xce: {  	s0 =	rddreg [dreg:$0x0];
	s2 =	stileid.u32  }
0xcf: {  	s1 =	rddreg [dreg:$0x1];
	p0 =	sne.s32 s2, $0x0  }
0xd0: {  	s3 =	rddreg [dreg:$0x2];
	[bflag:$0x3] =	sbarrier.arrive $0xFFFF;
	s2 =	simm.s32 @!p0 $0x1C01  }
0xd1: {  	[timem:s3], [sflag:s2] =	dma.local @!p0 [hbm:s0], s1  }
0xd2: {  	s0 =	simm.s32 @!p0 $0x1  }
0xd3: {  	_ =	swait.ge @!p0 [sflag:s0], s1  }
0xd4: {  	s1 =	ssub.s32 @!p0 $0x0, s1;
	[sflag:s0] =	ssyncset.done @!p0 $0x0  }
0xd5: {  	[sflag:s0] =	ssyncadd.s32 @!p0 s1  }
0xd6: {  	[bflag:$0x3] =	sbarrier.arrive $0xFFFF  }
0xd7: {  	_ =	shalt  }

</sc_bundles>
